<compile_context>
chip_gen: v7x
topology: tpu7x:2x2x1
jax: 0.10.2.dev20260603
libtpu: 0.0.44.dev20260713+nightly
codegen_flags: <defaults>
</compile_context>

<pallas_src>
import functools

import jax
import jax.numpy as jnp
from jax import lax
from jax.experimental import pallas as pl
from jax.experimental.pallas import tpu as pltpu
from jax.experimental.pallas import tpu_sc as plsc

B = 16384
DP, DC, DS = 32, 16, 24
PV = 100001
PV_PAD = 100008
DO = DP + DC + DS
NC, NS = 2, 16
NW = NC * NS
BW = B // NW

_mesh = plsc.VectorSubcoreMesh(core_axis_name="c", subcore_axis_name="s")


DOP = 128

@functools.partial(
    pl.kernel,
    out_type=jax.ShapeDtypeStruct((B, DOP), jnp.float32),
    mesh=_mesh,
    scratch_types=[
        pltpu.VMEM((BW,), jnp.int32),
        pltpu.VMEM((BW,), jnp.int32),
        pltpu.VMEM((BW,), jnp.int32),
        pltpu.VMEM((BW, DC), jnp.float32),
        pltpu.VMEM((BW, DS), jnp.float32),
        pltpu.VMEM((BW, DOP), jnp.float32),
        [pltpu.SemaphoreType.DMA] * 4,
        pltpu.SemaphoreType.DMA,
    ],
    compiler_params=pltpu.CompilerParams(use_tc_tiling_on_sc=False),
)
def _sc_kernel(pid_hbm, cid_hbm, sid_hbm, ptab_hbm, ctab_hbm, stab_hbm,
               out_hbm, pidx_v, cidx_v, sidx_v, cat_v, sub_v,
               row_v, sems, sem_out):
    wid = lax.axis_index("s") * NC + lax.axis_index("c")
    base = wid * BW
    pltpu.sync_copy(pid_hbm.at[pl.ds(base, BW)], pidx_v)
    pltpu.sync_copy(cid_hbm.at[pl.ds(base, BW)], cidx_v)
    pltpu.sync_copy(sid_hbm.at[pl.ds(base, BW)], sidx_v)
    CH, CB = 4, BW // 4
    gathers = []
    for c in range(CH):
        s = sems[c]
        lo = c * CB
        gathers.append((
            pltpu.async_copy(ptab_hbm.at[pidx_v.at[pl.ds(lo, CB)]],
                             row_v.at[pl.ds(lo, CB), :], s),
            pltpu.async_copy(ctab_hbm.at[cidx_v.at[pl.ds(lo, CB)]],
                             cat_v.at[pl.ds(lo, CB), :], s),
            pltpu.async_copy(stab_hbm.at[sidx_v.at[pl.ds(lo, CB)]],
                             sub_v.at[pl.ds(lo, CB), :], s),
        ))
    outs = []
    for c in range(CH):
        for g in gathers[c]:
            g.wait()
        lo = c * CB

        @plsc.parallel_loop(lo, lo + CB, unroll=8)
        def _assemble(r):
            row_v[r, pl.ds(32, 16)] = cat_v[r, pl.ds(0, 16)]
            row_v[r, pl.ds(48, 16)] = sub_v[r, pl.ds(0, 16)]
            row_v[r, pl.ds(56, 16)] = sub_v[r, pl.ds(8, 16)]

        outs.append(pltpu.async_copy(row_v.at[pl.ds(lo, CB), :],
                                     out_hbm.at[pl.ds(base + lo, CB)],
                                     sem_out))
    for o in outs:
        o.wait()

def kernel(product_id, stratbuy_domain_desc, mge_main_cat_desc,
           product_table, category_table, subcategory_table):
    ptab128 = jnp.pad(product_table, ((0, PV_PAD - PV), (0, DOP - DP)))
    out = _sc_kernel(
        product_id.astype(jnp.int32),
        stratbuy_domain_desc.astype(jnp.int32),
        mge_main_cat_desc.astype(jnp.int32),
        ptab128, category_table, subcategory_table)
    return out[:, :DO]

# --- scband reference (transcript-rebuilt; emitter-appended) ---
"""Pipeline reference for scband-enhanced-product-model-75840532513188 (READ-ONLY COPY).

The authoritative reference and input builder live on the scoring server;
editing this copy changes nothing except your own understanding.
"""

import jax, jax.numpy as jnp
import numpy as np

PRODUCT_VOCAB = 100000
CATEGORY_VOCAB = 100
SUBCATEGORY_VOCAB = 1000
BATCH = 16384


def setup_inputs(seed: int = 0) -> dict:
    key = jax.random.key(seed)
    k1, k2, k3, k4, k5, k6 = jax.random.split(key, 6)
    # StringLookup maps strings -> int ids in [0, vocab]; model that as integer indices.
    product_id = jax.random.randint(k1, (BATCH,), 0, PRODUCT_VOCAB + 1, dtype=jnp.int32).astype(jnp.int64)
    stratbuy_domain_desc = jax.random.randint(k2, (BATCH,), 0, CATEGORY_VOCAB + 1, dtype=jnp.int32).astype(jnp.int64)
    mge_main_cat_desc = jax.random.randint(k3, (BATCH,), 0, SUBCATEGORY_VOCAB + 1, dtype=jnp.int32).astype(jnp.int64)
    # Embedding tables (vocab+1 rows, matching keras Embedding(len(vocab)+1, dim))
    product_table = jax.random.normal(k4, (PRODUCT_VOCAB + 1, 32), dtype=jnp.float32) * 0.05
    category_table = jax.random.normal(k5, (CATEGORY_VOCAB + 1, 16), dtype=jnp.float32) * 0.05
    subcategory_table = jax.random.normal(k6, (SUBCATEGORY_VOCAB + 1, 24), dtype=jnp.float32) * 0.05
    return {
        "product_id": product_id,
        "stratbuy_domain_desc": stratbuy_domain_desc,
        "mge_main_cat_desc": mge_main_cat_desc,
        "product_table": product_table,
        "category_table": category_table,
        "subcategory_table": subcategory_table,
    }


def reference(product_id, stratbuy_domain_desc, mge_main_cat_desc,
              product_table, category_table, subcategory_table):
    prod_emb = jnp.take(product_table, product_id, axis=0)          # [B, 32]
    cat_emb = jnp.take(category_table, stratbuy_domain_desc, axis=0)  # [B, 16]
    subcat_emb = jnp.take(subcategory_table, mge_main_cat_desc, axis=0)  # [B, 24]
    return jnp.concatenate([prod_emb, cat_emb, subcat_emb], axis=1)  # [B, 72]

if __name__ == "__main__":
    import jax
    _d = setup_inputs()
    print(jax.jit(kernel)(*tuple(_d.values())))

</pallas_src>

<mosaic_0001>
#map = affine_map<(d0, d1) -> (0)>
#map1 = affine_map<(d0, d1) -> (0, 0)>
module attributes {stable_mosaic.version = 14 : i64} {
  func.func @_sc_kernel(%arg0: i32, %arg1: i32, %arg2: memref<16384xi32, #tpu.memory_space<hbm>>, %arg3: memref<16384xi32, #tpu.memory_space<hbm>>, %arg4: memref<16384xi32, #tpu.memory_space<hbm>>, %arg5: memref<100008x128xf32, #tpu.memory_space<hbm>>, %arg6: memref<101x16xf32, #tpu.memory_space<hbm>>, %arg7: memref<1001x24xf32, #tpu.memory_space<hbm>>, %arg8: memref<16384x128xf32, #tpu.memory_space<hbm>>, %arg9: memref<512xi32, #tpu.memory_space<vmem>>, %arg10: memref<512xi32, #tpu.memory_space<vmem>>, %arg11: memref<512xi32, #tpu.memory_space<vmem>>, %arg12: memref<512x16xf32, #tpu.memory_space<vmem>>, %arg13: memref<512x24xf32, #tpu.memory_space<vmem>>, %arg14: memref<512x128xf32, #tpu.memory_space<vmem>>, %arg15: memref<!tpu.dma_semaphore, #tpu.memory_space<semaphore_mem>>, %arg16: memref<!tpu.dma_semaphore, #tpu.memory_space<semaphore_mem>>, %arg17: memref<!tpu.dma_semaphore, #tpu.memory_space<semaphore_mem>>, %arg18: memref<!tpu.dma_semaphore, #tpu.memory_space<semaphore_mem>>, %arg19: memref<!tpu.dma_semaphore, #tpu.memory_space<semaphore_mem>>) attributes {dimension_semantics = [#tpu.dimension_semantics<core_parallel>, #tpu.dimension_semantics<subcore_parallel>], iteration_bounds = array<i64: 2, 16>, scalar_prefetch = 0 : i64, scratch_operands = 11 : i64, tpu.core_type = #tpu.core_type<sc_vector_subcore>, window_params = [{transform_indices = #map}, {transform_indices = #map}, {transform_indices = #map}, {transform_indices = #map1}, {transform_indices = #map1}, {transform_indices = #map1}, {transform_indices = #map1}]} {
    %mul3A = arith.constant 2 : i32
    %mul3A_0 = arith.muli %arg1, %mul3A : i32
    %add3A = arith.addi %mul3A_0, %arg0 : i32
    %mul3A_1 = arith.constant 512 : i32
    %mul3A_2 = arith.muli %add3A, %mul3A_1 : i32
    "tpu.region"() ({
      %run_scoped3A = tpu.sem_alloc : memref<!tpu.dma_semaphore, #tpu.memory_space<semaphore_mem>>
      %dma_start3A_292 = tpu.memref_slice %arg2[%mul3A_2] : memref<16384xi32, #tpu.memory_space<hbm>> -> memref<512xi32, #tpu.memory_space<hbm>>
      %dma_start3A_293 = tpu.memref_slice %arg2[%mul3A_2] : memref<16384xi32, #tpu.memory_space<hbm>> -> memref<512xi32, #tpu.memory_space<hbm>>
      tpu.enqueue_dma source(%dma_start3A_293 : memref<512xi32, #tpu.memory_space<hbm>>) target(%arg9 : memref<512xi32, #tpu.memory_space<vmem>>) target_semaphore(%run_scoped3A : memref<!tpu.dma_semaphore, #tpu.memory_space<semaphore_mem>>)
      %dma_wait3A_294 = tpu.memref_slice %arg2[%mul3A_2] : memref<16384xi32, #tpu.memory_space<hbm>> -> memref<512xi32, #tpu.memory_space<hbm>>
      %dma_wait3A_295 = tpu.memref_slice %arg2[%mul3A_2] : memref<16384xi32, #tpu.memory_space<hbm>> -> memref<512xi32, #tpu.memory_space<hbm>>
      tpu.wait_dma2 semaphore(%run_scoped3A : memref<!tpu.dma_semaphore, #tpu.memory_space<semaphore_mem>>) src(%dma_wait3A_295 : memref<512xi32, #tpu.memory_space<hbm>>) dst(%arg9 : memref<512xi32, #tpu.memory_space<vmem>>)
      tpu.yield
    }) : () -> ()
    "tpu.region"() ({
      %run_scoped3A = tpu.sem_alloc : memref<!tpu.dma_semaphore, #tpu.memory_space<semaphore_mem>>
      %dma_start3A_292 = tpu.memref_slice %arg3[%mul3A_2] : memref<16384xi32, #tpu.memory_space<hbm>> -> memref<512xi32, #tpu.memory_space<hbm>>
      %dma_start3A_293 = tpu.memref_slice %arg3[%mul3A_2] : memref<16384xi32, #tpu.memory_space<hbm>> -> memref<512xi32, #tpu.memory_space<hbm>>
      tpu.enqueue_dma source(%dma_start3A_293 : memref<512xi32, #tpu.memory_space<hbm>>) target(%arg10 : memref<512xi32, #tpu.memory_space<vmem>>) target_semaphore(%run_scoped3A : memref<!tpu.dma_semaphore, #tpu.memory_space<semaphore_mem>>)
      %dma_wait3A_294 = tpu.memref_slice %arg3[%mul3A_2] : memref<16384xi32, #tpu.memory_space<hbm>> -> memref<512xi32, #tpu.memory_space<hbm>>
      %dma_wait3A_295 = tpu.memref_slice %arg3[%mul3A_2] : memref<16384xi32, #tpu.memory_space<hbm>> -> memref<512xi32, #tpu.memory_space<hbm>>
      tpu.wait_dma2 semaphore(%run_scoped3A : memref<!tpu.dma_semaphore, #tpu.memory_space<semaphore_mem>>) src(%dma_wait3A_295 : memref<512xi32, #tpu.memory_space<hbm>>) dst(%arg10 : memref<512xi32, #tpu.memory_space<vmem>>)
      tpu.yield
    }) : () -> ()
    "tpu.region"() ({
      %run_scoped3A = tpu.sem_alloc : memref<!tpu.dma_semaphore, #tpu.memory_space<semaphore_mem>>
      %dma_start3A_292 = tpu.memref_slice %arg4[%mul3A_2] : memref<16384xi32, #tpu.memory_space<hbm>> -> memref<512xi32, #tpu.memory_space<hbm>>
      %dma_start3A_293 = tpu.memref_slice %arg4[%mul3A_2] : memref<16384xi32, #tpu.memory_space<hbm>> -> memref<512xi32, #tpu.memory_space<hbm>>
      tpu.enqueue_dma source(%dma_start3A_293 : memref<512xi32, #tpu.memory_space<hbm>>) target(%arg11 : memref<512xi32, #tpu.memory_space<vmem>>) target_semaphore(%run_scoped3A : memref<!tpu.dma_semaphore, #tpu.memory_space<semaphore_mem>>)
      %dma_wait3A_294 = tpu.memref_slice %arg4[%mul3A_2] : memref<16384xi32, #tpu.memory_space<hbm>> -> memref<512xi32, #tpu.memory_space<hbm>>
      %dma_wait3A_295 = tpu.memref_slice %arg4[%mul3A_2] : memref<16384xi32, #tpu.memory_space<hbm>> -> memref<512xi32, #tpu.memory_space<hbm>>
      tpu.wait_dma2 semaphore(%run_scoped3A : memref<!tpu.dma_semaphore, #tpu.memory_space<semaphore_mem>>) src(%dma_wait3A_295 : memref<512xi32, #tpu.memory_space<hbm>>) dst(%arg11 : memref<512xi32, #tpu.memory_space<vmem>>)
      tpu.yield
    }) : () -> ()
    %dma_start3A = arith.constant 0 : i32
    %dma_start3A_3 = arith.constant 0 : i32
    %dma_start3A_4 = tpu.memref_slice %arg14[%dma_start3A, %dma_start3A_3] : memref<512x128xf32, #tpu.memory_space<vmem>> -> memref<128x128xf32, #tpu.memory_space<vmem>>
    %dma_start3A_5 = arith.constant 0 : i32
    %dma_start3A_6 = tpu.memref_slice %arg9[%dma_start3A_5] : memref<512xi32, #tpu.memory_space<vmem>> -> memref<128xi32, #tpu.memory_space<vmem>>
    %dma_start3A_7 = arith.constant 0 : i32
    %dma_start3A_8 = arith.constant 0 : i32
    %dma_start3A_9 = tpu.memref_slice %arg5[%dma_start3A_7, %dma_start3A_8] : memref<100008x128xf32, #tpu.memory_space<hbm>> -> memref<100008x128xf32, #tpu.memory_space<hbm>>
    tpu.enqueue_indirect_dma source(%dma_start3A_9 : memref<100008x128xf32, #tpu.memory_space<hbm>>) target(%dma_start3A_4 : memref<128x128xf32, #tpu.memory_space<vmem>>) offsets(%dma_start3A_6 : memref<128xi32, #tpu.memory_space<vmem>>) semaphore(%arg15 : memref<!tpu.dma_semaphore, #tpu.memory_space<semaphore_mem>>)
    %dma_start3A_10 = arith.constant 0 : i32
    %dma_start3A_11 = arith.constant 0 : i32
    %dma_start3A_12 = tpu.memref_slice %arg12[%dma_start3A_10, %dma_start3A_11] : memref<512x16xf32, #tpu.memory_space<vmem>> -> memref<128x16xf32, #tpu.memory_space<vmem>>
    %dma_start3A_13 = arith.constant 0 : i32
    %dma_start3A_14 = tpu.memref_slice %arg10[%dma_start3A_13] : memref<512xi32, #tpu.memory_space<vmem>> -> memref<128xi32, #tpu.memory_space<vmem>>
    %dma_start3A_15 = arith.constant 0 : i32
    %dma_start3A_16 = arith.constant 0 : i32
    %dma_start3A_17 = tpu.memref_slice %arg6[%dma_start3A_15, %dma_start3A_16] : memref<101x16xf32, #tpu.memory_space<hbm>> -> memref<101x16xf32, #tpu.memory_space<hbm>>
    tpu.enqueue_indirect_dma source(%dma_start3A_17 : memref<101x16xf32, #tpu.memory_space<hbm>>) target(%dma_start3A_12 : memref<128x16xf32, #tpu.memory_space<vmem>>) offsets(%dma_start3A_14 : memref<128xi32, #tpu.memory_space<vmem>>) semaphore(%arg15 : memref<!tpu.dma_semaphore, #tpu.memory_space<semaphore_mem>>)
    %dma_start3A_18 = arith.constant 0 : i32
    %dma_start3A_19 = arith.constant 0 : i32
    %dma_start3A_20 = tpu.memref_slice %arg13[%dma_start3A_18, %dma_start3A_19] : memref<512x24xf32, #tpu.memory_space<vmem>> -> memref<128x24xf32, #tpu.memory_space<vmem>>
    %dma_start3A_21 = arith.constant 0 : i32
    %dma_start3A_22 = tpu.memref_slice %arg11[%dma_start3A_21] : memref<512xi32, #tpu.memory_space<vmem>> -> memref<128xi32, #tpu.memory_space<vmem>>
    %dma_start3A_23 = arith.constant 0 : i32
    %dma_start3A_24 = arith.constant 0 : i32
    %dma_start3A_25 = tpu.memref_slice %arg7[%dma_start3A_23, %dma_start3A_24] : memref<1001x24xf32, #tpu.memory_space<hbm>> -> memref<1001x24xf32, #tpu.memory_space<hbm>>
    tpu.enqueue_indirect_dma source(%dma_start3A_25 : memref<1001x24xf32, #tpu.memory_space<hbm>>) target(%dma_start3A_20 : memref<128x24xf32, #tpu.memory_space<vmem>>) offsets(%dma_start3A_22 : memref<128xi32, #tpu.memory_space<vmem>>) semaphore(%arg15 : memref<!tpu.dma_semaphore, #tpu.memory_space<semaphore_mem>>)
    %dma_start3A_26 = arith.constant 128 : i32
    %dma_start3A_27 = arith.constant 0 : i32
    %dma_start3A_28 = tpu.memref_slice %arg14[%dma_start3A_26, %dma_start3A_27] : memref<512x128xf32, #tpu.memory_space<vmem>> -> memref<128x128xf32, #tpu.memory_space<vmem>>
    %dma_start3A_29 = arith.constant 128 : i32
    %dma_start3A_30 = tpu.memref_slice %arg9[%dma_start3A_29] : memref<512xi32, #tpu.memory_space<vmem>> -> memref<128xi32, #tpu.memory_space<vmem>>
    %dma_start3A_31 = arith.constant 0 : i32
    %dma_start3A_32 = arith.constant 0 : i32
    %dma_start3A_33 = tpu.memref_slice %arg5[%dma_start3A_31, %dma_start3A_32] : memref<100008x128xf32, #tpu.memory_space<hbm>> -> memref<100008x128xf32, #tpu.memory_space<hbm>>
    tpu.enqueue_indirect_dma source(%dma_start3A_33 : memref<100008x128xf32, #tpu.memory_space<hbm>>) target(%dma_start3A_28 : memref<128x128xf32, #tpu.memory_space<vmem>>) offsets(%dma_start3A_30 : memref<128xi32, #tpu.memory_space<vmem>>) semaphore(%arg16 : memref<!tpu.dma_semaphore, #tpu.memory_space<semaphore_mem>>)
    %dma_start3A_34 = arith.constant 128 : i32
    %dma_start3A_35 = arith.constant 0 : i32
    %dma_start3A_36 = tpu.memref_slice %arg12[%dma_start3A_34, %dma_start3A_35] : memref<512x16xf32, #tpu.memory_space<vmem>> -> memref<128x16xf32, #tpu.memory_space<vmem>>
    %dma_start3A_37 = arith.constant 128 : i32
    %dma_start3A_38 = tpu.memref_slice %arg10[%dma_start3A_37] : memref<512xi32, #tpu.memory_space<vmem>> -> memref<128xi32, #tpu.memory_space<vmem>>
    %dma_start3A_39 = arith.constant 0 : i32
    %dma_start3A_40 = arith.constant 0 : i32
    %dma_start3A_41 = tpu.memref_slice %arg6[%dma_start3A_39, %dma_start3A_40] : memref<101x16xf32, #tpu.memory_space<hbm>> -> memref<101x16xf32, #tpu.memory_space<hbm>>
    tpu.enqueue_indirect_dma source(%dma_start3A_41 : memref<101x16xf32, #tpu.memory_space<hbm>>) target(%dma_start3A_36 : memref<128x16xf32, #tpu.memory_space<vmem>>) offsets(%dma_start3A_38 : memref<128xi32, #tpu.memory_space<vmem>>) semaphore(%arg16 : memref<!tpu.dma_semaphore, #tpu.memory_space<semaphore_mem>>)
    %dma_start3A_42 = arith.constant 128 : i32
    %dma_start3A_43 = arith.constant 0 : i32
    %dma_start3A_44 = tpu.memref_slice %arg13[%dma_start3A_42, %dma_start3A_43] : memref<512x24xf32, #tpu.memory_space<vmem>> -> memref<128x24xf32, #tpu.memory_space<vmem>>
    %dma_start3A_45 = arith.constant 128 : i32
    %dma_start3A_46 = tpu.memref_slice %arg11[%dma_start3A_45] : memref<512xi32, #tpu.memory_space<vmem>> -> memref<128xi32, #tpu.memory_space<vmem>>
    %dma_start3A_47 = arith.constant 0 : i32
    %dma_start3A_48 = arith.constant 0 : i32
    %dma_start3A_49 = tpu.memref_slice %arg7[%dma_start3A_47, %dma_start3A_48] : memref<1001x24xf32, #tpu.memory_space<hbm>> -> memref<1001x24xf32, #tpu.memory_space<hbm>>
    tpu.enqueue_indirect_dma source(%dma_start3A_49 : memref<1001x24xf32, #tpu.memory_space<hbm>>) target(%dma_start3A_44 : memref<128x24xf32, #tpu.memory_space<vmem>>) offsets(%dma_start3A_46 : memref<128xi32, #tpu.memory_space<vmem>>) semaphore(%arg16 : memref<!tpu.dma_semaphore, #tpu.memory_space<semaphore_mem>>)
    %dma_start3A_50 = arith.constant 256 : i32
    %dma_start3A_51 = arith.constant 0 : i32
    %dma_start3A_52 = tpu.memref_slice %arg14[%dma_start3A_50, %dma_start3A_51] : memref<512x128xf32, #tpu.memory_space<vmem>> -> memref<128x128xf32, #tpu.memory_space<vmem>>
    %dma_start3A_53 = arith.constant 256 : i32
    %dma_start3A_54 = tpu.memref_slice %arg9[%dma_start3A_53] : memref<512xi32, #tpu.memory_space<vmem>> -> memref<128xi32, #tpu.memory_space<vmem>>
    %dma_start3A_55 = arith.constant 0 : i32
    %dma_start3A_56 = arith.constant 0 : i32
    %dma_start3A_57 = tpu.memref_slice %arg5[%dma_start3A_55, %dma_start3A_56] : memref<100008x128xf32, #tpu.memory_space<hbm>> -> memref<100008x128xf32, #tpu.memory_space<hbm>>
    tpu.enqueue_indirect_dma source(%dma_start3A_57 : memref<100008x128xf32, #tpu.memory_space<hbm>>) target(%dma_start3A_52 : memref<128x128xf32, #tpu.memory_space<vmem>>) offsets(%dma_start3A_54 : memref<128xi32, #tpu.memory_space<vmem>>) semaphore(%arg17 : memref<!tpu.dma_semaphore, #tpu.memory_space<semaphore_mem>>)
    %dma_start3A_58 = arith.constant 256 : i32
    %dma_start3A_59 = arith.constant 0 : i32
    %dma_start3A_60 = tpu.memref_slice %arg12[%dma_start3A_58, %dma_start3A_59] : memref<512x16xf32, #tpu.memory_space<vmem>> -> memref<128x16xf32, #tpu.memory_space<vmem>>
    %dma_start3A_61 = arith.constant 256 : i32
    %dma_start3A_62 = tpu.memref_slice %arg10[%dma_start3A_61] : memref<512xi32, #tpu.memory_space<vmem>> -> memref<128xi32, #tpu.memory_space<vmem>>
    %dma_start3A_63 = arith.constant 0 : i32
    %dma_start3A_64 = arith.constant 0 : i32
    %dma_start3A_65 = tpu.memref_slice %arg6[%dma_start3A_63, %dma_start3A_64] : memref<101x16xf32, #tpu.memory_space<hbm>> -> memref<101x16xf32, #tpu.memory_space<hbm>>
    tpu.enqueue_indirect_dma source(%dma_start3A_65 : memref<101x16xf32, #tpu.memory_space<hbm>>) target(%dma_start3A_60 : memref<128x16xf32, #tpu.memory_space<vmem>>) offsets(%dma_start3A_62 : memref<128xi32, #tpu.memory_space<vmem>>) semaphore(%arg17 : memref<!tpu.dma_semaphore, #tpu.memory_space<semaphore_mem>>)
    %dma_start3A_66 = arith.constant 256 : i32
    %dma_start3A_67 = arith.constant 0 : i32
    %dma_start3A_68 = tpu.memref_slice %arg13[%dma_start3A_66, %dma_start3A_67] : memref<512x24xf32, #tpu.memory_space<vmem>> -> memref<128x24xf32, #tpu.memory_space<vmem>>
    %dma_start3A_69 = arith.constant 256 : i32
    %dma_start3A_70 = tpu.memref_slice %arg11[%dma_start3A_69] : memref<512xi32, #tpu.memory_space<vmem>> -> memref<128xi32, #tpu.memory_space<vmem>>
    %dma_start3A_71 = arith.constant 0 : i32
    %dma_start3A_72 = arith.constant 0 : i32
    %dma_start3A_73 = tpu.memref_slice %arg7[%dma_start3A_71, %dma_start3A_72] : memref<1001x24xf32, #tpu.memory_space<hbm>> -> memref<1001x24xf32, #tpu.memory_space<hbm>>
    tpu.enqueue_indirect_dma source(%dma_start3A_73 : memref<1001x24xf32, #tpu.memory_space<hbm>>) target(%dma_start3A_68 : memref<128x24xf32, #tpu.memory_space<vmem>>) offsets(%dma_start3A_70 : memref<128xi32, #tpu.memory_space<vmem>>) semaphore(%arg17 : memref<!tpu.dma_semaphore, #tpu.memory_space<semaphore_mem>>)
    %dma_start3A_74 = arith.constant 384 : i32
    %dma_start3A_75 = arith.constant 0 : i32
    %dma_start3A_76 = tpu.memref_slice %arg14[%dma_start3A_74, %dma_start3A_75] : memref<512x128xf32, #tpu.memory_space<vmem>> -> memref<128x128xf32, #tpu.memory_space<vmem>>
    %dma_start3A_77 = arith.constant 384 : i32
    %dma_start3A_78 = tpu.memref_slice %arg9[%dma_start3A_77] : memref<512xi32, #tpu.memory_space<vmem>> -> memref<128xi32, #tpu.memory_space<vmem>>
    %dma_start3A_79 = arith.constant 0 : i32
    %dma_start3A_80 = arith.constant 0 : i32
    %dma_start3A_81 = tpu.memref_slice %arg5[%dma_start3A_79, %dma_start3A_80] : memref<100008x128xf32, #tpu.memory_space<hbm>> -> memref<100008x128xf32, #tpu.memory_space<hbm>>
    tpu.enqueue_indirect_dma source(%dma_start3A_81 : memref<100008x128xf32, #tpu.memory_space<hbm>>) target(%dma_start3A_76 : memref<128x128xf32, #tpu.memory_space<vmem>>) offsets(%dma_start3A_78 : memref<128xi32, #tpu.memory_space<vmem>>) semaphore(%arg18 : memref<!tpu.dma_semaphore, #tpu.memory_space<semaphore_mem>>)
    %dma_start3A_82 = arith.constant 384 : i32
    %dma_start3A_83 = arith.constant 0 : i32
    %dma_start3A_84 = tpu.memref_slice %arg12[%dma_start3A_82, %dma_start3A_83] : memref<512x16xf32, #tpu.memory_space<vmem>> -> memref<128x16xf32, #tpu.memory_space<vmem>>
    %dma_start3A_85 = arith.constant 384 : i32
    %dma_start3A_86 = tpu.memref_slice %arg10[%dma_start3A_85] : memref<512xi32, #tpu.memory_space<vmem>> -> memref<128xi32, #tpu.memory_space<vmem>>
    %dma_start3A_87 = arith.constant 0 : i32
    %dma_start3A_88 = arith.constant 0 : i32
    %dma_start3A_89 = tpu.memref_slice %arg6[%dma_start3A_87, %dma_start3A_88] : memref<101x16xf32, #tpu.memory_space<hbm>> -> memref<101x16xf32, #tpu.memory_space<hbm>>
    tpu.enqueue_indirect_dma source(%dma_start3A_89 : memref<101x16xf32, #tpu.memory_space<hbm>>) target(%dma_start3A_84 : memref<128x16xf32, #tpu.memory_space<vmem>>) offsets(%dma_start3A_86 : memref<128xi32, #tpu.memory_space<vmem>>) semaphore(%arg18 : memref<!tpu.dma_semaphore, #tpu.memory_space<semaphore_mem>>)
    %dma_start3A_90 = arith.constant 384 : i32
    %dma_start3A_91 = arith.constant 0 : i32
    %dma_start3A_92 = tpu.memref_slice %arg13[%dma_start3A_90, %dma_start3A_91] : memref<512x24xf32, #tpu.memory_space<vmem>> -> memref<128x24xf32, #tpu.memory_space<vmem>>
    %dma_start3A_93 = arith.constant 384 : i32
    %dma_start3A_94 = tpu.memref_slice %arg11[%dma_start3A_93] : memref<512xi32, #tpu.memory_space<vmem>> -> memref<128xi32, #tpu.memory_space<vmem>>
    %dma_start3A_95 = arith.constant 0 : i32
    %dma_start3A_96 = arith.constant 0 : i32
    %dma_start3A_97 = tpu.memref_slice %arg7[%dma_start3A_95, %dma_start3A_96] : memref<1001x24xf32, #tpu.memory_space<hbm>> -> memref<1001x24xf32, #tpu.memory_space<hbm>>
    tpu.enqueue_indirect_dma source(%dma_start3A_97 : memref<1001x24xf32, #tpu.memory_space<hbm>>) target(%dma_start3A_92 : memref<128x24xf32, #tpu.memory_space<vmem>>) offsets(%dma_start3A_94 : memref<128xi32, #tpu.memory_space<vmem>>) semaphore(%arg18 : memref<!tpu.dma_semaphore, #tpu.memory_space<semaphore_mem>>)
    %dma_wait3A = arith.constant 0 : i32
    %dma_wait3A_98 = arith.constant 0 : i32
    %dma_wait3A_99 = tpu.memref_slice %arg14[%dma_wait3A, %dma_wait3A_98] : memref<512x128xf32, #tpu.memory_space<vmem>> -> memref<128x128xf32, #tpu.memory_space<vmem>>
    %dma_wait3A_100 = arith.constant 0 : i32
    %dma_wait3A_101 = tpu.memref_slice %arg9[%dma_wait3A_100] : memref<512xi32, #tpu.memory_space<vmem>> -> memref<128xi32, #tpu.memory_space<vmem>>
    %dma_wait3A_102 = arith.constant 0 : i32
    %dma_wait3A_103 = arith.constant 0 : i32
    %dma_wait3A_104 = tpu.memref_slice %arg5[%dma_wait3A_102, %dma_wait3A_103] : memref<100008x128xf32, #tpu.memory_space<hbm>> -> memref<100008x128xf32, #tpu.memory_space<hbm>>
    tpu.wait_indirect_dma semaphore(%arg15 : memref<!tpu.dma_semaphore, #tpu.memory_space<semaphore_mem>>) src(%dma_wait3A_104 : memref<100008x128xf32, #tpu.memory_space<hbm>>) dst(%dma_wait3A_99 : memref<128x128xf32, #tpu.memory_space<vmem>>)
    %dma_wait3A_105 = arith.constant 0 : i32
    %dma_wait3A_106 = arith.constant 0 : i32
    %dma_wait3A_107 = tpu.memref_slice %arg12[%dma_wait3A_105, %dma_wait3A_106] : memref<512x16xf32, #tpu.memory_space<vmem>> -> memref<128x16xf32, #tpu.memory_space<vmem>>
    %dma_wait3A_108 = arith.constant 0 : i32
    %dma_wait3A_109 = tpu.memref_slice %arg10[%dma_wait3A_108] : memref<512xi32, #tpu.memory_space<vmem>> -> memref<128xi32, #tpu.memory_space<vmem>>
    %dma_wait3A_110 = arith.constant 0 : i32
    %dma_wait3A_111 = arith.constant 0 : i32
    %dma_wait3A_112 = tpu.memref_slice %arg6[%dma_wait3A_110, %dma_wait3A_111] : memref<101x16xf32, #tpu.memory_space<hbm>> -> memref<101x16xf32, #tpu.memory_space<hbm>>
    tpu.wait_indirect_dma semaphore(%arg15 : memref<!tpu.dma_semaphore, #tpu.memory_space<semaphore_mem>>) src(%dma_wait3A_112 : memref<101x16xf32, #tpu.memory_space<hbm>>) dst(%dma_wait3A_107 : memref<128x16xf32, #tpu.memory_space<vmem>>)
    %dma_wait3A_113 = arith.constant 0 : i32
    %dma_wait3A_114 = arith.constant 0 : i32
    %dma_wait3A_115 = tpu.memref_slice %arg13[%dma_wait3A_113, %dma_wait3A_114] : memref<512x24xf32, #tpu.memory_space<vmem>> -> memref<128x24xf32, #tpu.memory_space<vmem>>
    %dma_wait3A_116 = arith.constant 0 : i32
    %dma_wait3A_117 = tpu.memref_slice %arg11[%dma_wait3A_116] : memref<512xi32, #tpu.memory_space<vmem>> -> memref<128xi32, #tpu.memory_space<vmem>>
    %dma_wait3A_118 = arith.constant 0 : i32
    %dma_wait3A_119 = arith.constant 0 : i32
    %dma_wait3A_120 = tpu.memref_slice %arg7[%dma_wait3A_118, %dma_wait3A_119] : memref<1001x24xf32, #tpu.memory_space<hbm>> -> memref<1001x24xf32, #tpu.memory_space<hbm>>
    tpu.wait_indirect_dma semaphore(%arg15 : memref<!tpu.dma_semaphore, #tpu.memory_space<semaphore_mem>>) src(%dma_wait3A_120 : memref<1001x24xf32, #tpu.memory_space<hbm>>) dst(%dma_wait3A_115 : memref<128x24xf32, #tpu.memory_space<vmem>>)
    %parallel_loop3A = arith.constant 0 : i32
    %parallel_loop3A_121 = arith.constant 128 : i32
    %parallel_loop3A_122 = arith.constant 1 : i32
    scf.for %parallel_loop3A_292 = %parallel_loop3A to %parallel_loop3A_121 step %parallel_loop3A_122  : i32 {
      %parallel_loop3A_293 = arith.index_cast %parallel_loop3A_292 : i32 to index
      %parallel_loop3A_294 = arith.constant 0 : index
      %parallel_loop3A_295 = tpu.vector_load %arg12[%parallel_loop3A_293, %parallel_loop3A_294] {strides = array<i32>} : memref<512x16xf32, #tpu.memory_space<vmem>>, vector<1x16xf32>,
      %parallel_loop3A_296 = vector.shape_cast %parallel_loop3A_295 : vector<1x16xf32> to vector<16xf32>
      %parallel_loop3A_297 = arith.index_cast %parallel_loop3A_292 : i32 to index
      %parallel_loop3A_298 = arith.constant 32 : index
      %parallel_loop3A_299 = tpu.vector_load %arg14[%parallel_loop3A_297, %parallel_loop3A_298] {strides = array<i32>} : memref<512x128xf32, #tpu.memory_space<vmem>>, vector<1x16xf32>,
      %parallel_loop3A_300 = vector.shape_cast %parallel_loop3A_299 : vector<1x16xf32> to vector<16xf32>
      %parallel_loop3A_301 = vector.shape_cast %parallel_loop3A_296 : vector<16xf32> to vector<1x16xf32>
      tpu.vector_store %arg14[%parallel_loop3A_297, %parallel_loop3A_298], %parallel_loop3A_301 {strides = array<i32>} : memref<512x128xf32, #tpu.memory_space<vmem>>, vector<1x16xf32>,
      %parallel_loop3A_302 = arith.index_cast %parallel_loop3A_292 : i32 to index
      %parallel_loop3A_303 = arith.constant 0 : index
      %parallel_loop3A_304 = tpu.vector_load %arg13[%parallel_loop3A_302, %parallel_loop3A_303] {strides = array<i32>} : memref<512x24xf32, #tpu.memory_space<vmem>>, vector<1x16xf32>,
      %parallel_loop3A_305 = vector.shape_cast %parallel_loop3A_304 : vector<1x16xf32> to vector<16xf32>
      %parallel_loop3A_306 = arith.index_cast %parallel_loop3A_292 : i32 to index
      %parallel_loop3A_307 = arith.constant 48 : index
      %parallel_loop3A_308 = tpu.vector_load %arg14[%parallel_loop3A_306, %parallel_loop3A_307] {strides = array<i32>} : memref<512x128xf32, #tpu.memory_space<vmem>>, vector<1x16xf32>,
      %parallel_loop3A_309 = vector.shape_cast %parallel_loop3A_308 : vector<1x16xf32> to vector<16xf32>
      %parallel_loop3A_310 = vector.shape_cast %parallel_loop3A_305 : vector<16xf32> to vector<1x16xf32>
      tpu.vector_store %arg14[%parallel_loop3A_306, %parallel_loop3A_307], %parallel_loop3A_310 {strides = array<i32>} : memref<512x128xf32, #tpu.memory_space<vmem>>, vector<1x16xf32>,
      %parallel_loop3A_311 = arith.index_cast %parallel_loop3A_292 : i32 to index
      %parallel_loop3A_312 = arith.constant 8 : index
      %parallel_loop3A_313 = tpu.vector_load %arg13[%parallel_loop3A_311, %parallel_loop3A_312] {strides = array<i32>} : memref<512x24xf32, #tpu.memory_space<vmem>>, vector<1x16xf32>,
      %parallel_loop3A_314 = vector.shape_cast %parallel_loop3A_313 : vector<1x16xf32> to vector<16xf32>
      %parallel_loop3A_315 = arith.index_cast %parallel_loop3A_292 : i32 to index
      %parallel_loop3A_316 = arith.constant 56 : index
      %parallel_loop3A_317 = tpu.vector_load %arg14[%parallel_loop3A_315, %parallel_loop3A_316] {strides = array<i32>} : memref<512x128xf32, #tpu.memory_space<vmem>>, vector<1x16xf32>,
      %parallel_loop3A_318 = vector.shape_cast %parallel_loop3A_317 : vector<1x16xf32> to vector<16xf32>
      %parallel_loop3A_319 = vector.shape_cast %parallel_loop3A_314 : vector<16xf32> to vector<1x16xf32>
      tpu.vector_store %arg14[%parallel_loop3A_315, %parallel_loop3A_316], %parallel_loop3A_319 {strides = array<i32>} : memref<512x128xf32, #tpu.memory_space<vmem>>, vector<1x16xf32>,
    } {sc.loop_unroll_factor = 8 : i64, sc.parallel_access}
    %add3A_123 = arith.constant 0 : i32
    %add3A_124 = arith.addi %mul3A_2, %add3A_123 : i32
    %dma_start3A_125 = arith.constant 0 : i32
    %dma_start3A_126 = arith.constant 0 : i32
    %dma_start3A_127 = tpu.memref_slice %arg14[%dma_start3A_125, %dma_start3A_126] : memref<512x128xf32, #tpu.memory_space<vmem>> -> memref<128x128xf32, #tpu.memory_space<vmem>>
    %dma_start3A_128 = arith.constant 0 : i32
    %dma_start3A_129 = tpu.memref_slice %arg8[%add3A_124, %dma_start3A_128] : memref<16384x128xf32, #tpu.memory_space<hbm>> -> memref<128x128xf32, #tpu.memory_space<hbm>>
    %dma_start3A_130 = arith.constant 0 : i32
    %dma_start3A_131 = tpu.memref_slice %arg8[%add3A_124, %dma_start3A_130] : memref<16384x128xf32, #tpu.memory_space<hbm>> -> memref<128x128xf32, #tpu.memory_space<hbm>>
    %dma_start3A_132 = arith.constant 0 : i32
    %dma_start3A_133 = arith.constant 0 : i32
    %dma_start3A_134 = tpu.memref_slice %arg14[%dma_start3A_132, %dma_start3A_133] : memref<512x128xf32, #tpu.memory_space<vmem>> -> memref<128x128xf32, #tpu.memory_space<vmem>>
    tpu.enqueue_dma source(%dma_start3A_134 : memref<128x128xf32, #tpu.memory_space<vmem>>) target(%dma_start3A_131 : memref<128x128xf32, #tpu.memory_space<hbm>>) target_semaphore(%arg19 : memref<!tpu.dma_semaphore, #tpu.memory_space<semaphore_mem>>)
    %dma_wait3A_135 = arith.constant 128 : i32
    %dma_wait3A_136 = arith.constant 0 : i32
    %dma_wait3A_137 = tpu.memref_slice %arg14[%dma_wait3A_135, %dma_wait3A_136] : memref<512x128xf32, #tpu.memory_space<vmem>> -> memref<128x128xf32, #tpu.memory_space<vmem>>
    %dma_wait3A_138 = arith.constant 128 : i32
    %dma_wait3A_139 = tpu.memref_slice %arg9[%dma_wait3A_138] : memref<512xi32, #tpu.memory_space<vmem>> -> memref<128xi32, #tpu.memory_space<vmem>>
    %dma_wait3A_140 = arith.constant 0 : i32
    %dma_wait3A_141 = arith.constant 0 : i32
    %dma_wait3A_142 = tpu.memref_slice %arg5[%dma_wait3A_140, %dma_wait3A_141] : memref<100008x128xf32, #tpu.memory_space<hbm>> -> memref<100008x128xf32, #tpu.memory_space<hbm>>
    tpu.wait_indirect_dma semaphore(%arg16 : memref<!tpu.dma_semaphore, #tpu.memory_space<semaphore_mem>>) src(%dma_wait3A_142 : memref<100008x128xf32, #tpu.memory_space<hbm>>) dst(%dma_wait3A_137 : memref<128x128xf32, #tpu.memory_space<vmem>>)
    %dma_wait3A_143 = arith.constant 128 : i32
    %dma_wait3A_144 = arith.constant 0 : i32
    %dma_wait3A_145 = tpu.memref_slice %arg12[%dma_wait3A_143, %dma_wait3A_144] : memref<512x16xf32, #tpu.memory_space<vmem>> -> memref<128x16xf32, #tpu.memory_space<vmem>>
    %dma_wait3A_146 = arith.constant 128 : i32
    %dma_wait3A_147 = tpu.memref_slice %arg10[%dma_wait3A_146] : memref<512xi32, #tpu.memory_space<vmem>> -> memref<128xi32, #tpu.memory_space<vmem>>
    %dma_wait3A_148 = arith.constant 0 : i32
    %dma_wait3A_149 = arith.constant 0 : i32
    %dma_wait3A_150 = tpu.memref_slice %arg6[%dma_wait3A_148, %dma_wait3A_149] : memref<101x16xf32, #tpu.memory_space<hbm>> -> memref<101x16xf32, #tpu.memory_space<hbm>>
    tpu.wait_indirect_dma semaphore(%arg16 : memref<!tpu.dma_semaphore, #tpu.memory_space<semaphore_mem>>) src(%dma_wait3A_150 : memref<101x16xf32, #tpu.memory_space<hbm>>) dst(%dma_wait3A_145 : memref<128x16xf32, #tpu.memory_space<vmem>>)
    %dma_wait3A_151 = arith.constant 128 : i32
    %dma_wait3A_152 = arith.constant 0 : i32
    %dma_wait3A_153 = tpu.memref_slice %arg13[%dma_wait3A_151, %dma_wait3A_152] : memref<512x24xf32, #tpu.memory_space<vmem>> -> memref<128x24xf32, #tpu.memory_space<vmem>>
    %dma_wait3A_154 = arith.constant 128 : i32
    %dma_wait3A_155 = tpu.memref_slice %arg11[%dma_wait3A_154] : memref<512xi32, #tpu.memory_space<vmem>> -> memref<128xi32, #tpu.memory_space<vmem>>
    %dma_wait3A_156 = arith.constant 0 : i32
    %dma_wait3A_157 = arith.constant 0 : i32
    %dma_wait3A_158 = tpu.memref_slice %arg7[%dma_wait3A_156, %dma_wait3A_157] : memref<1001x24xf32, #tpu.memory_space<hbm>> -> memref<1001x24xf32, #tpu.memory_space<hbm>>
    tpu.wait_indirect_dma semaphore(%arg16 : memref<!tpu.dma_semaphore, #tpu.memory_space<semaphore_mem>>) src(%dma_wait3A_158 : memref<1001x24xf32, #tpu.memory_space<hbm>>) dst(%dma_wait3A_153 : memref<128x24xf32, #tpu.memory_space<vmem>>)
    %parallel_loop3A_159 = arith.constant 128 : i32
    %parallel_loop3A_160 = arith.constant 256 : i32
    %parallel_loop3A_161 = arith.constant 1 : i32
    scf.for %parallel_loop3A_292 = %parallel_loop3A_159 to %parallel_loop3A_160 step %parallel_loop3A_161  : i32 {
      %parallel_loop3A_293 = arith.index_cast %parallel_loop3A_292 : i32 to index
      %parallel_loop3A_294 = arith.constant 0 : index
      %parallel_loop3A_295 = tpu.vector_load %arg12[%parallel_loop3A_293, %parallel_loop3A_294] {strides = array<i32>} : memref<512x16xf32, #tpu.memory_space<vmem>>, vector<1x16xf32>,
      %parallel_loop3A_296 = vector.shape_cast %parallel_loop3A_295 : vector<1x16xf32> to vector<16xf32>
      %parallel_loop3A_297 = arith.index_cast %parallel_loop3A_292 : i32 to index
      %parallel_loop3A_298 = arith.constant 32 : index
      %parallel_loop3A_299 = tpu.vector_load %arg14[%parallel_loop3A_297, %parallel_loop3A_298] {strides = array<i32>} : memref<512x128xf32, #tpu.memory_space<vmem>>, vector<1x16xf32>,
      %parallel_loop3A_300 = vector.shape_cast %parallel_loop3A_299 : vector<1x16xf32> to vector<16xf32>
      %parallel_loop3A_301 = vector.shape_cast %parallel_loop3A_296 : vector<16xf32> to vector<1x16xf32>
      tpu.vector_store %arg14[%parallel_loop3A_297, %parallel_loop3A_298], %parallel_loop3A_301 {strides = array<i32>} : memref<512x128xf32, #tpu.memory_space<vmem>>, vector<1x16xf32>,
      %parallel_loop3A_302 = arith.index_cast %parallel_loop3A_292 : i32 to index
      %parallel_loop3A_303 = arith.constant 0 : index
      %parallel_loop3A_304 = tpu.vector_load %arg13[%parallel_loop3A_302, %parallel_loop3A_303] {strides = array<i32>} : memref<512x24xf32, #tpu.memory_space<vmem>>, vector<1x16xf32>,
      %parallel_loop3A_305 = vector.shape_cast %parallel_loop3A_304 : vector<1x16xf32> to vector<16xf32>
      %parallel_loop3A_306 = arith.index_cast %parallel_loop3A_292 : i32 to index
      %parallel_loop3A_307 = arith.constant 48 : index
      %parallel_loop3A_308 = tpu.vector_load %arg14[%parallel_loop3A_306, %parallel_loop3A_307] {strides = array<i32>} : memref<512x128xf32, #tpu.memory_space<vmem>>, vector<1x16xf32>,
      %parallel_loop3A_309 = vector.shape_cast %parallel_loop3A_308 : vector<1x16xf32> to vector<16xf32>
      %parallel_loop3A_310 = vector.shape_cast %parallel_loop3A_305 : vector<16xf32> to vector<1x16xf32>
      tpu.vector_store %arg14[%parallel_loop3A_306, %parallel_loop3A_307], %parallel_loop3A_310 {strides = array<i32>} : memref<512x128xf32, #tpu.memory_space<vmem>>, vector<1x16xf32>,
      %parallel_loop3A_311 = arith.index_cast %parallel_loop3A_292 : i32 to index
      %parallel_loop3A_312 = arith.constant 8 : index
      %parallel_loop3A_313 = tpu.vector_load %arg13[%parallel_loop3A_311, %parallel_loop3A_312] {strides = array<i32>} : memref<512x24xf32, #tpu.memory_space<vmem>>, vector<1x16xf32>,
      %parallel_loop3A_314 = vector.shape_cast %parallel_loop3A_313 : vector<1x16xf32> to vector<16xf32>
      %parallel_loop3A_315 = arith.index_cast %parallel_loop3A_292 : i32 to index
      %parallel_loop3A_316 = arith.constant 56 : index
      %parallel_loop3A_317 = tpu.vector_load %arg14[%parallel_loop3A_315, %parallel_loop3A_316] {strides = array<i32>} : memref<512x128xf32, #tpu.memory_space<vmem>>, vector<1x16xf32>,
      %parallel_loop3A_318 = vector.shape_cast %parallel_loop3A_317 : vector<1x16xf32> to vector<16xf32>
      %parallel_loop3A_319 = vector.shape_cast %parallel_loop3A_314 : vector<16xf32> to vector<1x16xf32>
      tpu.vector_store %arg14[%parallel_loop3A_315, %parallel_loop3A_316], %parallel_loop3A_319 {strides = array<i32>} : memref<512x128xf32, #tpu.memory_space<vmem>>, vector<1x16xf32>,
    } {sc.loop_unroll_factor = 8 : i64, sc.parallel_access}
    %add3A_162 = arith.constant 128 : i32
    %add3A_163 = arith.addi %mul3A_2, %add3A_162 : i32
    %dma_start3A_164 = arith.constant 128 : i32
    %dma_start3A_165 = arith.constant 0 : i32
    %dma_start3A_166 = tpu.memref_slice %arg14[%dma_start3A_164, %dma_start3A_165] : memref<512x128xf32, #tpu.memory_space<vmem>> -> memref<128x128xf32, #tpu.memory_space<vmem>>
    %dma_start3A_167 = arith.constant 0 : i32
    %dma_start3A_168 = tpu.memref_slice %arg8[%add3A_163, %dma_start3A_167] : memref<16384x128xf32, #tpu.memory_space<hbm>> -> memref<128x128xf32, #tpu.memory_space<hbm>>
    %dma_start3A_169 = arith.constant 0 : i32
    %dma_start3A_170 = tpu.memref_slice %arg8[%add3A_163, %dma_start3A_169] : memref<16384x128xf32, #tpu.memory_space<hbm>> -> memref<128x128xf32, #tpu.memory_space<hbm>>
    %dma_start3A_171 = arith.constant 128 : i32
    %dma_start3A_172 = arith.constant 0 : i32
    %dma_start3A_173 = tpu.memref_slice %arg14[%dma_start3A_171, %dma_start3A_172] : memref<512x128xf32, #tpu.memory_space<vmem>> -> memref<128x128xf32, #tpu.memory_space<vmem>>
    tpu.enqueue_dma source(%dma_start3A_173 : memref<128x128xf32, #tpu.memory_space<vmem>>) target(%dma_start3A_170 : memref<128x128xf32, #tpu.memory_space<hbm>>) target_semaphore(%arg19 : memref<!tpu.dma_semaphore, #tpu.memory_space<semaphore_mem>>)
    %dma_wait3A_174 = arith.constant 256 : i32
    %dma_wait3A_175 = arith.constant 0 : i32
    %dma_wait3A_176 = tpu.memref_slice %arg14[%dma_wait3A_174, %dma_wait3A_175] : memref<512x128xf32, #tpu.memory_space<vmem>> -> memref<128x128xf32, #tpu.memory_space<vmem>>
    %dma_wait3A_177 = arith.constant 256 : i32
    %dma_wait3A_178 = tpu.memref_slice %arg9[%dma_wait3A_177] : memref<512xi32, #tpu.memory_space<vmem>> -> memref<128xi32, #tpu.memory_space<vmem>>
    %dma_wait3A_179 = arith.constant 0 : i32
    %dma_wait3A_180 = arith.constant 0 : i32
    %dma_wait3A_181 = tpu.memref_slice %arg5[%dma_wait3A_179, %dma_wait3A_180] : memref<100008x128xf32, #tpu.memory_space<hbm>> -> memref<100008x128xf32, #tpu.memory_space<hbm>>
    tpu.wait_indirect_dma semaphore(%arg17 : memref<!tpu.dma_semaphore, #tpu.memory_space<semaphore_mem>>) src(%dma_wait3A_181 : memref<100008x128xf32, #tpu.memory_space<hbm>>) dst(%dma_wait3A_176 : memref<128x128xf32, #tpu.memory_space<vmem>>)
    %dma_wait3A_182 = arith.constant 256 : i32
    %dma_wait3A_183 = arith.constant 0 : i32
    %dma_wait3A_184 = tpu.memref_slice %arg12[%dma_wait3A_182, %dma_wait3A_183] : memref<512x16xf32, #tpu.memory_space<vmem>> -> memref<128x16xf32, #tpu.memory_space<vmem>>
    %dma_wait3A_185 = arith.constant 256 : i32
    %dma_wait3A_186 = tpu.memref_slice %arg10[%dma_wait3A_185] : memref<512xi32, #tpu.memory_space<vmem>> -> memref<128xi32, #tpu.memory_space<vmem>>
    %dma_wait3A_187 = arith.constant 0 : i32
    %dma_wait3A_188 = arith.constant 0 : i32
    %dma_wait3A_189 = tpu.memref_slice %arg6[%dma_wait3A_187, %dma_wait3A_188] : memref<101x16xf32, #tpu.memory_space<hbm>> -> memref<101x16xf32, #tpu.memory_space<hbm>>
    tpu.wait_indirect_dma semaphore(%arg17 : memref<!tpu.dma_semaphore, #tpu.memory_space<semaphore_mem>>) src(%dma_wait3A_189 : memref<101x16xf32, #tpu.memory_space<hbm>>) dst(%dma_wait3A_184 : memref<128x16xf32, #tpu.memory_space<vmem>>)
    %dma_wait3A_190 = arith.constant 256 : i32
    %dma_wait3A_191 = arith.constant 0 : i32
    %dma_wait3A_192 = tpu.memref_slice %arg13[%dma_wait3A_190, %dma_wait3A_191] : memref<512x24xf32, #tpu.memory_space<vmem>> -> memref<128x24xf32, #tpu.memory_space<vmem>>
    %dma_wait3A_193 = arith.constant 256 : i32
    %dma_wait3A_194 = tpu.memref_slice %arg11[%dma_wait3A_193] : memref<512xi32, #tpu.memory_space<vmem>> -> memref<128xi32, #tpu.memory_space<vmem>>
    %dma_wait3A_195 = arith.constant 0 : i32
    %dma_wait3A_196 = arith.constant 0 : i32
    %dma_wait3A_197 = tpu.memref_slice %arg7[%dma_wait3A_195, %dma_wait3A_196] : memref<1001x24xf32, #tpu.memory_space<hbm>> -> memref<1001x24xf32, #tpu.memory_space<hbm>>
    tpu.wait_indirect_dma semaphore(%arg17 : memref<!tpu.dma_semaphore, #tpu.memory_space<semaphore_mem>>) src(%dma_wait3A_197 : memref<1001x24xf32, #tpu.memory_space<hbm>>) dst(%dma_wait3A_192 : memref<128x24xf32, #tpu.memory_space<vmem>>)
    %parallel_loop3A_198 = arith.constant 256 : i32
    %parallel_loop3A_199 = arith.constant 384 : i32
    %parallel_loop3A_200 = arith.constant 1 : i32
    scf.for %parallel_loop3A_292 = %parallel_loop3A_198 to %parallel_loop3A_199 step %parallel_loop3A_200  : i32 {
      %parallel_loop3A_293 = arith.index_cast %parallel_loop3A_292 : i32 to index
      %parallel_loop3A_294 = arith.constant 0 : index
      %parallel_loop3A_295 = tpu.vector_load %arg12[%parallel_loop3A_293, %parallel_loop3A_294] {strides = array<i32>} : memref<512x16xf32, #tpu.memory_space<vmem>>, vector<1x16xf32>,
      %parallel_loop3A_296 = vector.shape_cast %parallel_loop3A_295 : vector<1x16xf32> to vector<16xf32>
      %parallel_loop3A_297 = arith.index_cast %parallel_loop3A_292 : i32 to index
      %parallel_loop3A_298 = arith.constant 32 : index
      %parallel_loop3A_299 = tpu.vector_load %arg14[%parallel_loop3A_297, %parallel_loop3A_298] {strides = array<i32>} : memref<512x128xf32, #tpu.memory_space<vmem>>, vector<1x16xf32>,
      %parallel_loop3A_300 = vector.shape_cast %parallel_loop3A_299 : vector<1x16xf32> to vector<16xf32>
      %parallel_loop3A_301 = vector.shape_cast %parallel_loop3A_296 : vector<16xf32> to vector<1x16xf32>
      tpu.vector_store %arg14[%parallel_loop3A_297, %parallel_loop3A_298], %parallel_loop3A_301 {strides = array<i32>} : memref<512x128xf32, #tpu.memory_space<vmem>>, vector<1x16xf32>,
      %parallel_loop3A_302 = arith.index_cast %parallel_loop3A_292 : i32 to index
      %parallel_loop3A_303 = arith.constant 0 : index
      %parallel_loop3A_304 = tpu.vector_load %arg13[%parallel_loop3A_302, %parallel_loop3A_303] {strides = array<i32>} : memref<512x24xf32, #tpu.memory_space<vmem>>, vector<1x16xf32>,
      %parallel_loop3A_305 = vector.shape_cast %parallel_loop3A_304 : vector<1x16xf32> to vector<16xf32>
      %parallel_loop3A_306 = arith.index_cast %parallel_loop3A_292 : i32 to index
      %parallel_loop3A_307 = arith.constant 48 : index
      %parallel_loop3A_308 = tpu.vector_load %arg14[%parallel_loop3A_306, %parallel_loop3A_307] {strides = array<i32>} : memref<512x128xf32, #tpu.memory_space<vmem>>, vector<1x16xf32>,
      %parallel_loop3A_309 = vector.shape_cast %parallel_loop3A_308 : vector<1x16xf32> to vector<16xf32>
      %parallel_loop3A_310 = vector.shape_cast %parallel_loop3A_305 : vector<16xf32> to vector<1x16xf32>
      tpu.vector_store %arg14[%parallel_loop3A_306, %parallel_loop3A_307], %parallel_loop3A_310 {strides = array<i32>} : memref<512x128xf32, #tpu.memory_space<vmem>>, vector<1x16xf32>,
      %parallel_loop3A_311 = arith.index_cast %parallel_loop3A_292 : i32 to index
      %parallel_loop3A_312 = arith.constant 8 : index
      %parallel_loop3A_313 = tpu.vector_load %arg13[%parallel_loop3A_311, %parallel_loop3A_312] {strides = array<i32>} : memref<512x24xf32, #tpu.memory_space<vmem>>, vector<1x16xf32>,
      %parallel_loop3A_314 = vector.shape_cast %parallel_loop3A_313 : vector<1x16xf32> to vector<16xf32>
      %parallel_loop3A_315 = arith.index_cast %parallel_loop3A_292 : i32 to index
      %parallel_loop3A_316 = arith.constant 56 : index
      %parallel_loop3A_317 = tpu.vector_load %arg14[%parallel_loop3A_315, %parallel_loop3A_316] {strides = array<i32>} : memref<512x128xf32, #tpu.memory_space<vmem>>, vector<1x16xf32>,
      %parallel_loop3A_318 = vector.shape_cast %parallel_loop3A_317 : vector<1x16xf32> to vector<16xf32>
      %parallel_loop3A_319 = vector.shape_cast %parallel_loop3A_314 : vector<16xf32> to vector<1x16xf32>
      tpu.vector_store %arg14[%parallel_loop3A_315, %parallel_loop3A_316], %parallel_loop3A_319 {strides = array<i32>} : memref<512x128xf32, #tpu.memory_space<vmem>>, vector<1x16xf32>,
    } {sc.loop_unroll_factor = 8 : i64, sc.parallel_access}
    %add3A_201 = arith.constant 256 : i32
    %add3A_202 = arith.addi %mul3A_2, %add3A_201 : i32
    %dma_start3A_203 = arith.constant 256 : i32
    %dma_start3A_204 = arith.constant 0 : i32
    %dma_start3A_205 = tpu.memref_slice %arg14[%dma_start3A_203, %dma_start3A_204] : memref<512x128xf32, #tpu.memory_space<vmem>> -> memref<128x128xf32, #tpu.memory_space<vmem>>
    %dma_start3A_206 = arith.constant 0 : i32
    %dma_start3A_207 = tpu.memref_slice %arg8[%add3A_202, %dma_start3A_206] : memref<16384x128xf32, #tpu.memory_space<hbm>> -> memref<128x128xf32, #tpu.memory_space<hbm>>
    %dma_start3A_208 = arith.constant 0 : i32
    %dma_start3A_209 = tpu.memref_slice %arg8[%add3A_202, %dma_start3A_208] : memref<16384x128xf32, #tpu.memory_space<hbm>> -> memref<128x128xf32, #tpu.memory_space<hbm>>
    %dma_start3A_210 = arith.constant 256 : i32
    %dma_start3A_211 = arith.constant 0 : i32
    %dma_start3A_212 = tpu.memref_slice %arg14[%dma_start3A_210, %dma_start3A_211] : memref<512x128xf32, #tpu.memory_space<vmem>> -> memref<128x128xf32, #tpu.memory_space<vmem>>
    tpu.enqueue_dma source(%dma_start3A_212 : memref<128x128xf32, #tpu.memory_space<vmem>>) target(%dma_start3A_209 : memref<128x128xf32, #tpu.memory_space<hbm>>) target_semaphore(%arg19 : memref<!tpu.dma_semaphore, #tpu.memory_space<semaphore_mem>>)
    %dma_wait3A_213 = arith.constant 384 : i32
    %dma_wait3A_214 = arith.constant 0 : i32
    %dma_wait3A_215 = tpu.memref_slice %arg14[%dma_wait3A_213, %dma_wait3A_214] : memref<512x128xf32, #tpu.memory_space<vmem>> -> memref<128x128xf32, #tpu.memory_space<vmem>>
    %dma_wait3A_216 = arith.constant 384 : i32
    %dma_wait3A_217 = tpu.memref_slice %arg9[%dma_wait3A_216] : memref<512xi32, #tpu.memory_space<vmem>> -> memref<128xi32, #tpu.memory_space<vmem>>
    %dma_wait3A_218 = arith.constant 0 : i32
    %dma_wait3A_219 = arith.constant 0 : i32
    %dma_wait3A_220 = tpu.memref_slice %arg5[%dma_wait3A_218, %dma_wait3A_219] : memref<100008x128xf32, #tpu.memory_space<hbm>> -> memref<100008x128xf32, #tpu.memory_space<hbm>>
    tpu.wait_indirect_dma semaphore(%arg18 : memref<!tpu.dma_semaphore, #tpu.memory_space<semaphore_mem>>) src(%dma_wait3A_220 : memref<100008x128xf32, #tpu.memory_space<hbm>>) dst(%dma_wait3A_215 : memref<128x128xf32, #tpu.memory_space<vmem>>)
    %dma_wait3A_221 = arith.constant 384 : i32
    %dma_wait3A_222 = arith.constant 0 : i32
    %dma_wait3A_223 = tpu.memref_slice %arg12[%dma_wait3A_221, %dma_wait3A_222] : memref<512x16xf32, #tpu.memory_space<vmem>> -> memref<128x16xf32, #tpu.memory_space<vmem>>
    %dma_wait3A_224 = arith.constant 384 : i32
    %dma_wait3A_225 = tpu.memref_slice %arg10[%dma_wait3A_224] : memref<512xi32, #tpu.memory_space<vmem>> -> memref<128xi32, #tpu.memory_space<vmem>>
    %dma_wait3A_226 = arith.constant 0 : i32
    %dma_wait3A_227 = arith.constant 0 : i32
    %dma_wait3A_228 = tpu.memref_slice %arg6[%dma_wait3A_226, %dma_wait3A_227] : memref<101x16xf32, #tpu.memory_space<hbm>> -> memref<101x16xf32, #tpu.memory_space<hbm>>
    tpu.wait_indirect_dma semaphore(%arg18 : memref<!tpu.dma_semaphore, #tpu.memory_space<semaphore_mem>>) src(%dma_wait3A_228 : memref<101x16xf32, #tpu.memory_space<hbm>>) dst(%dma_wait3A_223 : memref<128x16xf32, #tpu.memory_space<vmem>>)
    %dma_wait3A_229 = arith.constant 384 : i32
    %dma_wait3A_230 = arith.constant 0 : i32
    %dma_wait3A_231 = tpu.memref_slice %arg13[%dma_wait3A_229, %dma_wait3A_230] : memref<512x24xf32, #tpu.memory_space<vmem>> -> memref<128x24xf32, #tpu.memory_space<vmem>>
    %dma_wait3A_232 = arith.constant 384 : i32
    %dma_wait3A_233 = tpu.memref_slice %arg11[%dma_wait3A_232] : memref<512xi32, #tpu.memory_space<vmem>> -> memref<128xi32, #tpu.memory_space<vmem>>
    %dma_wait3A_234 = arith.constant 0 : i32
    %dma_wait3A_235 = arith.constant 0 : i32
    %dma_wait3A_236 = tpu.memref_slice %arg7[%dma_wait3A_234, %dma_wait3A_235] : memref<1001x24xf32, #tpu.memory_space<hbm>> -> memref<1001x24xf32, #tpu.memory_space<hbm>>
    tpu.wait_indirect_dma semaphore(%arg18 : memref<!tpu.dma_semaphore, #tpu.memory_space<semaphore_mem>>) src(%dma_wait3A_236 : memref<1001x24xf32, #tpu.memory_space<hbm>>) dst(%dma_wait3A_231 : memref<128x24xf32, #tpu.memory_space<vmem>>)
    %parallel_loop3A_237 = arith.constant 384 : i32
    %parallel_loop3A_238 = arith.constant 512 : i32
    %parallel_loop3A_239 = arith.constant 1 : i32
    scf.for %parallel_loop3A_292 = %parallel_loop3A_237 to %parallel_loop3A_238 step %parallel_loop3A_239  : i32 {
      %parallel_loop3A_293 = arith.index_cast %parallel_loop3A_292 : i32 to index
      %parallel_loop3A_294 = arith.constant 0 : index
      %parallel_loop3A_295 = tpu.vector_load %arg12[%parallel_loop3A_293, %parallel_loop3A_294] {strides = array<i32>} : memref<512x16xf32, #tpu.memory_space<vmem>>, vector<1x16xf32>,
      %parallel_loop3A_296 = vector.shape_cast %parallel_loop3A_295 : vector<1x16xf32> to vector<16xf32>
      %parallel_loop3A_297 = arith.index_cast %parallel_loop3A_292 : i32 to index
      %parallel_loop3A_298 = arith.constant 32 : index
      %parallel_loop3A_299 = tpu.vector_load %arg14[%parallel_loop3A_297, %parallel_loop3A_298] {strides = array<i32>} : memref<512x128xf32, #tpu.memory_space<vmem>>, vector<1x16xf32>,
      %parallel_loop3A_300 = vector.shape_cast %parallel_loop3A_299 : vector<1x16xf32> to vector<16xf32>
      %parallel_loop3A_301 = vector.shape_cast %parallel_loop3A_296 : vector<16xf32> to vector<1x16xf32>
      tpu.vector_store %arg14[%parallel_loop3A_297, %parallel_loop3A_298], %parallel_loop3A_301 {strides = array<i32>} : memref<512x128xf32, #tpu.memory_space<vmem>>, vector<1x16xf32>,
      %parallel_loop3A_302 = arith.index_cast %parallel_loop3A_292 : i32 to index
      %parallel_loop3A_303 = arith.constant 0 : index
      %parallel_loop3A_304 = tpu.vector_load %arg13[%parallel_loop3A_302, %parallel_loop3A_303] {strides = array<i32>} : memref<512x24xf32, #tpu.memory_space<vmem>>, vector<1x16xf32>,
      %parallel_loop3A_305 = vector.shape_cast %parallel_loop3A_304 : vector<1x16xf32> to vector<16xf32>
      %parallel_loop3A_306 = arith.index_cast %parallel_loop3A_292 : i32 to index
      %parallel_loop3A_307 = arith.constant 48 : index
      %parallel_loop3A_308 = tpu.vector_load %arg14[%parallel_loop3A_306, %parallel_loop3A_307] {strides = array<i32>} : memref<512x128xf32, #tpu.memory_space<vmem>>, vector<1x16xf32>,
      %parallel_loop3A_309 = vector.shape_cast %parallel_loop3A_308 : vector<1x16xf32> to vector<16xf32>
      %parallel_loop3A_310 = vector.shape_cast %parallel_loop3A_305 : vector<16xf32> to vector<1x16xf32>
      tpu.vector_store %arg14[%parallel_loop3A_306, %parallel_loop3A_307], %parallel_loop3A_310 {strides = array<i32>} : memref<512x128xf32, #tpu.memory_space<vmem>>, vector<1x16xf32>,
      %parallel_loop3A_311 = arith.index_cast %parallel_loop3A_292 : i32 to index
      %parallel_loop3A_312 = arith.constant 8 : index
      %parallel_loop3A_313 = tpu.vector_load %arg13[%parallel_loop3A_311, %parallel_loop3A_312] {strides = array<i32>} : memref<512x24xf32, #tpu.memory_space<vmem>>, vector<1x16xf32>,
      %parallel_loop3A_314 = vector.shape_cast %parallel_loop3A_313 : vector<1x16xf32> to vector<16xf32>
      %parallel_loop3A_315 = arith.index_cast %parallel_loop3A_292 : i32 to index
      %parallel_loop3A_316 = arith.constant 56 : index
      %parallel_loop3A_317 = tpu.vector_load %arg14[%parallel_loop3A_315, %parallel_loop3A_316] {strides = array<i32>} : memref<512x128xf32, #tpu.memory_space<vmem>>, vector<1x16xf32>,
      %parallel_loop3A_318 = vector.shape_cast %parallel_loop3A_317 : vector<1x16xf32> to vector<16xf32>
      %parallel_loop3A_319 = vector.shape_cast %parallel_loop3A_314 : vector<16xf32> to vector<1x16xf32>
      tpu.vector_store %arg14[%parallel_loop3A_315, %parallel_loop3A_316], %parallel_loop3A_319 {strides = array<i32>} : memref<512x128xf32, #tpu.memory_space<vmem>>, vector<1x16xf32>,
    } {sc.loop_unroll_factor = 8 : i64, sc.parallel_access}
    %add3A_240 = arith.constant 384 : i32
    %add3A_241 = arith.addi %mul3A_2, %add3A_240 : i32
    %dma_start3A_242 = arith.constant 384 : i32
    %dma_start3A_243 = arith.constant 0 : i32
    %dma_start3A_244 = tpu.memref_slice %arg14[%dma_start3A_242, %dma_start3A_243] : memref<512x128xf32, #tpu.memory_space<vmem>> -> memref<128x128xf32, #tpu.memory_space<vmem>>
    %dma_start3A_245 = arith.constant 0 : i32
    %dma_start3A_246 = tpu.memref_slice %arg8[%add3A_241, %dma_start3A_245] : memref<16384x128xf32, #tpu.memory_space<hbm>> -> memref<128x128xf32, #tpu.memory_space<hbm>>
    %dma_start3A_247 = arith.constant 0 : i32
    %dma_start3A_248 = tpu.memref_slice %arg8[%add3A_241, %dma_start3A_247] : memref<16384x128xf32, #tpu.memory_space<hbm>> -> memref<128x128xf32, #tpu.memory_space<hbm>>
    %dma_start3A_249 = arith.constant 384 : i32
    %dma_start3A_250 = arith.constant 0 : i32
    %dma_start3A_251 = tpu.memref_slice %arg14[%dma_start3A_249, %dma_start3A_250] : memref<512x128xf32, #tpu.memory_space<vmem>> -> memref<128x128xf32, #tpu.memory_space<vmem>>
    tpu.enqueue_dma source(%dma_start3A_251 : memref<128x128xf32, #tpu.memory_space<vmem>>) target(%dma_start3A_248 : memref<128x128xf32, #tpu.memory_space<hbm>>) target_semaphore(%arg19 : memref<!tpu.dma_semaphore, #tpu.memory_space<semaphore_mem>>)
    %dma_wait3A_252 = arith.constant 0 : i32
    %dma_wait3A_253 = arith.constant 0 : i32
    %dma_wait3A_254 = tpu.memref_slice %arg14[%dma_wait3A_252, %dma_wait3A_253] : memref<512x128xf32, #tpu.memory_space<vmem>> -> memref<128x128xf32, #tpu.memory_space<vmem>>
    %dma_wait3A_255 = arith.constant 0 : i32
    %dma_wait3A_256 = tpu.memref_slice %arg8[%add3A_124, %dma_wait3A_255] : memref<16384x128xf32, #tpu.memory_space<hbm>> -> memref<128x128xf32, #tpu.memory_space<hbm>>
    %dma_wait3A_257 = arith.constant 0 : i32
    %dma_wait3A_258 = tpu.memref_slice %arg8[%add3A_124, %dma_wait3A_257] : memref<16384x128xf32, #tpu.memory_space<hbm>> -> memref<128x128xf32, #tpu.memory_space<hbm>>
    %dma_wait3A_259 = arith.constant 0 : i32
    %dma_wait3A_260 = arith.constant 0 : i32
    %dma_wait3A_261 = tpu.memref_slice %arg14[%dma_wait3A_259, %dma_wait3A_260] : memref<512x128xf32, #tpu.memory_space<vmem>> -> memref<128x128xf32, #tpu.memory_space<vmem>>
    tpu.wait_dma2 semaphore(%arg19 : memref<!tpu.dma_semaphore, #tpu.memory_space<semaphore_mem>>) src(%dma_wait3A_261 : memref<128x128xf32, #tpu.memory_space<vmem>>) dst(%dma_wait3A_258 : memref<128x128xf32, #tpu.memory_space<hbm>>)
    %dma_wait3A_262 = arith.constant 128 : i32
    %dma_wait3A_263 = arith.constant 0 : i32
    %dma_wait3A_264 = tpu.memref_slice %arg14[%dma_wait3A_262, %dma_wait3A_263] : memref<512x128xf32, #tpu.memory_space<vmem>> -> memref<128x128xf32, #tpu.memory_space<vmem>>
    %dma_wait3A_265 = arith.constant 0 : i32
    %dma_wait3A_266 = tpu.memref_slice %arg8[%add3A_163, %dma_wait3A_265] : memref<16384x128xf32, #tpu.memory_space<hbm>> -> memref<128x128xf32, #tpu.memory_space<hbm>>
    %dma_wait3A_267 = arith.constant 0 : i32
    %dma_wait3A_268 = tpu.memref_slice %arg8[%add3A_163, %dma_wait3A_267] : memref<16384x128xf32, #tpu.memory_space<hbm>> -> memref<128x128xf32, #tpu.memory_space<hbm>>
    %dma_wait3A_269 = arith.constant 128 : i32
    %dma_wait3A_270 = arith.constant 0 : i32
    %dma_wait3A_271 = tpu.memref_slice %arg14[%dma_wait3A_269, %dma_wait3A_270] : memref<512x128xf32, #tpu.memory_space<vmem>> -> memref<128x128xf32, #tpu.memory_space<vmem>>
    tpu.wait_dma2 semaphore(%arg19 : memref<!tpu.dma_semaphore, #tpu.memory_space<semaphore_mem>>) src(%dma_wait3A_271 : memref<128x128xf32, #tpu.memory_space<vmem>>) dst(%dma_wait3A_268 : memref<128x128xf32, #tpu.memory_space<hbm>>)
    %dma_wait3A_272 = arith.constant 256 : i32
    %dma_wait3A_273 = arith.constant 0 : i32
    %dma_wait3A_274 = tpu.memref_slice %arg14[%dma_wait3A_272, %dma_wait3A_273] : memref<512x128xf32, #tpu.memory_space<vmem>> -> memref<128x128xf32, #tpu.memory_space<vmem>>
    %dma_wait3A_275 = arith.constant 0 : i32
    %dma_wait3A_276 = tpu.memref_slice %arg8[%add3A_202, %dma_wait3A_275] : memref<16384x128xf32, #tpu.memory_space<hbm>> -> memref<128x128xf32, #tpu.memory_space<hbm>>
    %dma_wait3A_277 = arith.constant 0 : i32
    %dma_wait3A_278 = tpu.memref_slice %arg8[%add3A_202, %dma_wait3A_277] : memref<16384x128xf32, #tpu.memory_space<hbm>> -> memref<128x128xf32, #tpu.memory_space<hbm>>
    %dma_wait3A_279 = arith.constant 256 : i32
    %dma_wait3A_280 = arith.constant 0 : i32
    %dma_wait3A_281 = tpu.memref_slice %arg14[%dma_wait3A_279, %dma_wait3A_280] : memref<512x128xf32, #tpu.memory_space<vmem>> -> memref<128x128xf32, #tpu.memory_space<vmem>>
    tpu.wait_dma2 semaphore(%arg19 : memref<!tpu.dma_semaphore, #tpu.memory_space<semaphore_mem>>) src(%dma_wait3A_281 : memref<128x128xf32, #tpu.memory_space<vmem>>) dst(%dma_wait3A_278 : memref<128x128xf32, #tpu.memory_space<hbm>>)
    %dma_wait3A_282 = arith.constant 384 : i32
    %dma_wait3A_283 = arith.constant 0 : i32
    %dma_wait3A_284 = tpu.memref_slice %arg14[%dma_wait3A_282, %dma_wait3A_283] : memref<512x128xf32, #tpu.memory_space<vmem>> -> memref<128x128xf32, #tpu.memory_space<vmem>>
    %dma_wait3A_285 = arith.constant 0 : i32
    %dma_wait3A_286 = tpu.memref_slice %arg8[%add3A_241, %dma_wait3A_285] : memref<16384x128xf32, #tpu.memory_space<hbm>> -> memref<128x128xf32, #tpu.memory_space<hbm>>
    %dma_wait3A_287 = arith.constant 0 : i32
    %dma_wait3A_288 = tpu.memref_slice %arg8[%add3A_241, %dma_wait3A_287] : memref<16384x128xf32, #tpu.memory_space<hbm>> -> memref<128x128xf32, #tpu.memory_space<hbm>>
    %dma_wait3A_289 = arith.constant 384 : i32
    %dma_wait3A_290 = arith.constant 0 : i32
    %dma_wait3A_291 = tpu.memref_slice %arg14[%dma_wait3A_289, %dma_wait3A_290] : memref<512x128xf32, #tpu.memory_space<vmem>> -> memref<128x128xf32, #tpu.memory_space<vmem>>
    tpu.wait_dma2 semaphore(%arg19 : memref<!tpu.dma_semaphore, #tpu.memory_space<semaphore_mem>>) src(%dma_wait3A_291 : memref<128x128xf32, #tpu.memory_space<vmem>>) dst(%dma_wait3A_288 : memref<128x128xf32, #tpu.memory_space<hbm>>)
    return
  }
}

</mosaic_0001>

<sc_bundles>
// kernel: kernel.3.cloned.1.call-start
scs
__scs_entry_jumppad:
0x0: {  	(pc) =	sbr.rel $0x88, $3  }
0x1: {  	(tag) =	ssettag $0x0;
	lr =	simm.s32 $0x1  }
0x2: {  	[smem:$0x3F9B] =	sst lr;
	_ =	strace $0xD0000000  }
0x3: {  	_ = 	snop  }
0x4: {  	_ = 	snop  }
0x5: {  	_ = 	snop  }
0x6: {  	_ = 	snop  }
0x7: {  	_ = 	snop  }
__scs_overlays_trampoline_lowered:
0x8: {  	[smem:$0x3FAA] =	sst s0  }
0x9: {  	[smem:$0x3FAB] =	sst s1  }
0xa: {  	[smem:$0x3FAC] =	sst s2  }
0xb: {  	[smem:$0x3FAD] =	sst s3  }
0xc: {  	[smem:$0x3FAE] =	sst s4  }
0xd: {  	[smem:$0x3FAF] =	sst s5  }
0xe: {  	[smem:$0x3FB0] =	sst s6  }
0xf: {  	[smem:$0x3FB1] =	sst s7  }
0x10: {  	[smem:$0x3FB2] =	sst s8  }
0x11: {  	[smem:$0x3FB3] =	sst s9;
	s0 =	simm.s32 @!p0 $0x0  }
0x12: {  	s1 =	sld [smem:$0x3F99];
	s0 =	simm.s32 @p0 $0x1  }
0x13: {  	[smem:$0x3FB4] =	sst s0;
	s0 =	simm.s32 @!p1 $0x0  }
0x14: {  	s2 =	sld [smem:$0x3F98];
	s0 =	simm.s32 @p1 $0x1  }
0x15: {  	[smem:$0x3FB5] =	sst s0;
	s0 =	simm.s32 @!p2 $0x0  }
0x16: {  	s3 =	sld [smem:$0x3FDB];
	s0 =	simm.s32 @p2 $0x1  }
0x17: {  	s4 =	simm.s32 $0x1BF5;
	[smem:$0x3FB7] =	sst s0  }
0x18: {  	s0 =	sld [smem:$0x3F9A];
	_ =	swait.ge [sflag:s4], $0x0  }
0x19: {  	s7 =	sld [smem:$0x3F9B]  }
0x1a: {  	s8 =	sadd.s32 $0xFFFFE003, lr  }
0x1b: {  	s9 =	sadd.s32 $0xFFFFFEF7, lr;
	s5 =	simm.s32 $0xFFFFFFFF;
	p2 =	slt.u32 s8, $0xFFFFF086  }
0x1c: {  	p1 =	slt.u32 s9, $0xF7A;
	s5 =	simm.s32 @!p2 $0x0  }
0x1d: {  	s5 =	simm.s32 @p1 $0x1;
	p0 =	seq.s32 s7, s2  }
0x1e: {  	s7 =	smul.u32 @!p0 $0xF7A, s2;
	p2 =	seq.s32 @!p0 s5, $0x0  }
0x1f: {  	s9 =	smul.u32 $0xF7A, s1;
	s8 =	simm.s32 @!p0 $0x1BF5;
	p2 =	por !p2, p0  }
0x20: {  	[sflag:s8] =	ssyncset.s32 @!p0 $0xFFFFF086;
	s6 =	sadd.s32 @!p0 s3, s7;
	s7 =	simm.s32 @!p0 $0x108  }
0x21: {  	s3 =	sadd.s32 s3, s9;
	s6 =	sadd.s32 @!p0 $0x88, s6;
	s7 =	simm.s32 @p2 $0x1082  }
0x22: {  	[simem:s7], [sflag:s8] =	dma.local @!p0 [hbm:s6], $0xF7A  }
0x23: {  	s9 =	sor.u32 $0xD0000000, s2;
	s6 =	simm.s32 $0x108;
	_ =	swait.ge @!p0 [sflag:s8], $0x0  }
0x24: {  	s3 =	sadd.s32 $0x88, s3;
	s6 =	simm.s32 @!p1 $0x1082;
	[sflag:s4] =	ssyncset.s32 $0xFFFFF086  }
0x25: {  	[simem:s6], [sflag:s4] =	dma.local [hbm:s3], $0xF7A  }
0x26: {  	[smem:$0x3F9B] =	sst s1;
	(tag) =	ssettag s2;
	_ =	strace s9  }
0x27: {  	s1 =	sld [smem:$0x3FAB]  }
0x28: {  	s2 =	sld [smem:$0x3FAC]  }
0x29: {  	s4 =	sld [smem:$0x3FAE]  }
0x2a: {  	p0 =	seq.s32 s5, $0x0;
	s5 =	sld [smem:$0x3FAF]  }
0x2b: {  	s6 =	sld [smem:$0x3FB0]  }
0x2c: {  	s7 =	sld [smem:$0x3FB1]  }
0x2d: {  	s3 =	simm.s32 $0x108;
	s8 =	sld [smem:$0x3FB2]  }
0x2e: {  	s3 =	simm.s32 @!p0 $0x1082;
	s9 =	sld [smem:$0x3FB3]  }
0x2f: {  	lr =	sadd.s32 s0, s3;
	s0 =	sld [smem:$0x3FAA]  }
0x30: {  	s3 =	sld [smem:$0x3FAD]  }
0x31: {  	[smem:$0x3FB6] =	sst s10  }
0x32: {  	s10 =	sld [smem:$0x3FB4];
	_ =	sdelay $0x3  }
0x33: {  	p0 =	seq.s32 s10, $0x1;
	s10 =	sld [smem:$0x3FB6];
	_ =	sdelay $0x3  }
0x34: {  	[smem:$0x3FB6] =	sst s10  }
0x35: {  	s10 =	sld [smem:$0x3FB5];
	_ =	sdelay $0x3  }
0x36: {  	p1 =	seq.s32 s10, $0x1;
	s10 =	sld [smem:$0x3FB6];
	_ =	sdelay $0x3  }
0x37: {  	[smem:$0x3FB6] =	sst s10  }
0x38: {  	s10 =	sld [smem:$0x3FB7]  }
0x39: {  	_ = 	snop;
	(pc) =	sbr.ind lr, $3  }
0x3a: {  	_ = 	snop  }
0x3b: {  	_ = 	snop  }
0x3c: {  	p2 =	seq.s32 s10, $0x1;
	s10 =	sld [smem:$0x3FB6]  }
0x3d: {  	_ =	shalt  }
0x3e: {  	_ =	shalt  }
0x3f: {  	_ =	shalt  }
0x40: {  	_ =	shalt  }
0x41: {  	_ =	shalt  }
0x42: {  	_ =	shalt  }
0x43: {  	_ =	shalt  }
0x44: {  	_ =	shalt  }
0x45: {  	_ =	shalt  }
0x46: {  	_ =	shalt  }
0x47: {  	_ =	shalt  }
0x48: {  	_ =	shalt  }
0x49: {  	_ =	shalt  }
0x4a: {  	_ =	shalt  }
0x4b: {  	_ =	shalt  }
0x4c: {  	_ =	shalt  }
0x4d: {  	_ =	shalt  }
0x4e: {  	_ =	shalt  }
0x4f: {  	_ =	shalt  }
0x50: {  	_ =	shalt  }
0x51: {  	_ =	shalt  }
0x52: {  	_ =	shalt  }
0x53: {  	_ =	shalt  }
0x54: {  	_ =	shalt  }
0x55: {  	_ =	shalt  }
0x56: {  	_ =	shalt  }
0x57: {  	_ =	shalt  }
0x58: {  	_ =	shalt  }
0x59: {  	_ =	shalt  }
0x5a: {  	_ =	shalt  }
0x5b: {  	_ =	shalt  }
0x5c: {  	_ =	shalt  }
0x5d: {  	_ =	shalt  }
0x5e: {  	_ =	shalt  }
0x5f: {  	_ =	shalt  }
0x60: {  	_ =	shalt  }
0x61: {  	_ =	shalt  }
0x62: {  	_ =	shalt  }
0x63: {  	_ =	shalt  }
0x64: {  	_ =	shalt  }
0x65: {  	_ =	shalt  }
0x66: {  	_ =	shalt  }
0x67: {  	_ =	shalt  }
0x68: {  	_ =	shalt  }
0x69: {  	_ =	shalt  }
0x6a: {  	_ =	shalt  }
0x6b: {  	_ =	shalt  }
0x6c: {  	_ =	shalt  }
0x6d: {  	_ =	shalt  }
0x6e: {  	_ =	shalt  }
0x6f: {  	_ =	shalt  }
0x70: {  	_ =	shalt  }
0x71: {  	_ =	shalt  }
0x72: {  	_ =	shalt  }
0x73: {  	_ =	shalt  }
0x74: {  	_ =	shalt  }
0x75: {  	_ =	shalt  }
0x76: {  	_ =	shalt  }
0x77: {  	_ =	shalt  }
0x78: {  	_ =	shalt  }
0x79: {  	_ =	shalt  }
0x7a: {  	_ =	shalt  }
0x7b: {  	_ =	shalt  }
0x7c: {  	_ =	shalt  }
0x7d: {  	_ =	shalt  }
0x7e: {  	_ =	shalt  }
0x7f: {  	_ =	shalt  }
0x80: {  	_ =	shalt  }
0x81: {  	_ =	shalt  }
0x82: {  	_ =	shalt  }
0x83: {  	_ =	shalt  }
0x84: {  	_ =	shalt  }
0x85: {  	_ =	shalt  }
0x86: {  	_ =	shalt  }
0x87: {  	_ =	shalt  }
.Lfunc_end0:
.L_simem_size_0:
called_computation_lowered:
.L_overlay_start_0:
0x88: {  	s2 =	sld [smem:$0x3FD9]  }
0x89: {  	s3 =	sld [smem:$0x3FFE];
	_ =	sdelay $0x1  }
0x8a: {  	s1 =	srdreg.scid  }
0x8b: {  	s0 =	sand.u32 $0x1, s1  }
0x8c: {  	s17 =	sshll.u32 s0, $0xA;
	s2 =	sadd.s32 s3, s2  }
0x8d: {  	s2 =	sadd.s32 s2, s17  }
0x8e: {  	[smem:$0x3FC2] =	sst s2  }
0x8f: {  	_ = 	snop  }
0x90: {  	s2 =	sld [smem:$0x3FC9]  }
0x91: {  	s18 =	sld [smem:$0x3FC8]  }
0x92: {  	s4 =	sld [smem:$0x3FC7]  }
0x93: {  	s5 =	sld [smem:$0x3FD0];
	(tm) =	ssettm $0x1  }
0x94: {  	s6 =	sld [smem:$0x3FFB];
	_ =	sdelay $0x3  }
0x95: {  	_ =	strace s6  }
0x96: {  	s6 =	sld [smem:$0x3FFC];
	_ =	sdelay $0x3  }
0x97: {  	_ =	strace s6  }
0x98: {  	s6 =	sld [smem:$0x3FFD];
	_ =	sdelay $0x3  }
0x99: {  	_ =	strace s6  }
0x9a: {  	_ =	strace $0x8FFFFFFF  }
0x9b: {  	s19 =	sld [smem:$0x3FDB];
	_ =	sdelay $0x1  }
0x9c: {  	s7 =	simm.s32 $_scs_section_size  }
0x9d: {  	s8 =	simm.s32 $_size__tile_overlayer_lowered;
	s9 =	simm.s32 $_tile_overlayer_lowered  }
0x9e: {  	s22 =	simm.s32 $0x1BFF;
	s21 =	sshll.u32 s9, $0x1;
	s6 =	sadd.s32 s7, s19  }
0x9f: {  	s10 =	simm.s32 $0x0;
	s20 =	sshll.u32 s8, $0x1;
	s8 =	sadd.s32 s21, s6  }
0xa0: {  	[timem:s10], [sflag:s22] =	dma.local [hbm:s8], s20  }
0xa1: {  	_ =	swait.ge [sflag:s22], s20  }
0xa2: {  	s7 =	ssub.s32 $0x0, s20;
	[sflag:s22] =	ssyncset.done $0x0  }
0xa3: {  	[sflag:s22] =	ssyncadd.s32 s7;
	_ =	sdelay $0x1  }
0xa4: {  	s23 =	simm.s32 $0x1B8B  }
0xa5: {  	_ =	swait.ge [sflag:s23], $0x1  }
0xa6: {  	[sflag:s23] =	ssyncset.done $0x0  }
0xa7: {  	s25 =	simm.s32 $0x1B8E;
	s24 =	sld [smem:$0x3FFE];
	[sflag:s23] =	ssyncadd.s32 $0xFFFFFFFF  }
0xa8: {  	s26 =	simm.s32 $execute0_lowered;
	[smem:$0x3FD2] =	sst s25  }
0xa9: {  	s8 =	sshll.u32 s26, $0x1;
	_ =	strace $0x80000046;
	[dreg:$0x1] =	wrdreg $0xFFFFFFFF  }
0xaa: {  	s28 =	simm.s32 $_size_execute0_lowered;
	s6 =	sadd.s32 s6, s8;
	[dreg:$0x0] =	wrdreg $0x0  }
0xab: {  	s8 =	sshll.u32 s28, $0x1;
	[dreg:$0x2] =	wrdreg s6  }
0xac: {  	[dreg:$0x3] =	wrdreg s8  }
0xad: {  	[dreg:$0x4] =	wrdreg $0xC0  }
0xae: {  	_ =	task [dreg:s10], $0x5FFFF  }
0xaf: {  	[dreg:$0x1] =	wrdreg $0xFFFFFFFF  }
0xb0: {  	[dreg:$0x0] =	wrdreg $0x60  }
0xb1: {  	[dreg:$0x2] =	wrdreg s2  }
0xb2: {  	[dreg:$0x3] =	wrdreg s18  }
0xb3: {  	[dreg:$0x4] =	wrdreg s4  }
0xb4: {  	[dreg:$0x5] =	wrdreg s24  }
0xb5: {  	[dreg:$0x6] =	wrdreg s5  }
0xb6: {  	[dreg:$0x7] =	wrdreg $0x9  }
0xb7: {  	_ =	task.clear_ibuf [dreg:s10], $0x8FFFF;
	_ =	strace $0x90000046  }
0xb8: {  	s29 =	simm.s32 $0x9;
	_ =	strace $0x80000048  }
0xb9: {  	_ =	swait.ge [sflag:s29], $0x1  }
0xba: {  	[sflag:s29] =	ssyncadd.s32 $0xFFFFFFFF  }
0xbb: {  	_ =	strace $0x90000048  }
0xbc: {  	_ =	sfence  }
0xbd: {  	s30 =	sld [smem:$0x0];
	_ =	sdelay $0x2  }
0xbe: {  	s31 =	sshll.u32 s1, $0xD;
	s1 =	sshrl.u32 s1, $0x2  }
0xbf: {  	s3 =	sand.u32 $0x4000, s31;
	s1 =	sadd.s32 s1, s30  }
0xc0: {  	s0 =	sor.u32 s3, s0;
	s1 =	sshll.u32 s1, $0x11  }
0xc1: {  	s0 =	sor.u32 s1, s0  }
0xc2: {  	s0 =	sadd.s32 $0x8F2B, s0  }
0xc3: {  	[sflag:s0] =	ssyncadd.remote.s32 $0x1  }
0xc4: {  	_ =	sfence.sel $0xFFFF  }
0xc5: {  	[dreg:$0x0] =	wrdreg $0xFFFFFFFF;
	(pc) =	sbr.abs _section_cstart, $3  }
0xc6: {  	[dreg:$0x1] =	wrdreg $0xFFFFFFFF  }
0xc7: {  	_ =	task.clear_ibuf [dreg:s10], $0x2FFFF;
	_ =	strace $0x9FFFFFFF  }
0xc8: {  	(tm) =	ssettm $0x7FFFFFFF  }
0xc9: {  	_ =	shalt  }
tec
execute0_lowered:
.L_overlay_start_1:
0x0: {  	(tag) =	ssettag $0x1  }
0x1: {  	s0 =	rddreg [dreg:$0x0]  }
0x2: {  	s1 =	rddreg [dreg:$0x1]  }
0x3: {  	s8 =	rddreg [dreg:$0x2]  }
0x4: {  	s6 =	rddreg [dreg:$0x3]  }
0x5: {  	s2 =	rddreg [dreg:$0x4];
	s4 =	srdreg.scid  }
0x6: {  	s3 =	simm.s32 $0x0;
	s5 =	stileid.u32;
	s14 =	simm.s32 $0x6  }
0x7: {  	s15 =	simm.s32 $0x200;
	s16 =	simm.s32 $0x400;
	s17 =	simm.s32 $0x80  }
0x8: {  	s18 =	simm.s32 $0x5600;
	s21 =	simm.s32 $0x9600;
	s28 =	simm.s32 $0xD600  }
0x9: {  	s19 =	simm.s32 $0x11600;
	s24 =	simm.s32 $0x4A00;
	s25 =	simm.s32 $0x1  }
0xa: {  	s29 =	simm.s32 $0x3;
	s30 =	simm.s32 $0x4;
	s31 =	simm.s32 $0x5  }
0xb: {  	s7 =	sand.u32 $0x1, s4;
	[smem:$0x7FF] =	sst s3;
	s4 =	sadd.s32 $0x187600, s6  }
0xc: {  	s5 =	sshll.u32 s5, $0xA;
	s9 =	sshll.u32 s7, $0x9;
	_ =	strace $0x80000047  }
0xd: {  	s7 =	ssub.s32 $0x2, s7;
	s9 =	sor.u32 s9, s5;
	s5 =	sadd.s32 $0x187400, s6  }
0xe: {  	s26 =	sshrl.u32 s7, $0x1;
	s10 =	sshll.u32 s9, $0x4;
	s9 =	sshrl.u32 s9, $0x3  }
0xf: {  	s13 =	ssub.s32 s7, s26;
	s26 =	simm.s32 $0x2;
	s12 =	sadd.s32 s10, s6  }
0x10: {  	s6 =	sadd.s32 s0, s9;
	s7 =	sadd.s32 s1, s9;
	s8 =	sadd.s32 s8, s9  }
0x11: {  	s13 =	smax.u32 s13, $0x1;
	s0 =	simm.s32 $0x0;
	s9 =	sadd.s32 $0x800, s12  }
0x12: {  	s10 =	sadd.s32 $0x1000, s12;
	s11 =	sadd.s32 $0x1800, s12;
	s12 =	sadd.s32 $0x2000, s12  }
.LBB2_1:
0x13: {  	[tilespmem:s3], [sflag:$0x6] =	stream.linear.gather [hbm4b:s6+s3], $0x200, $0x38;
	[tilespmem:$0x15600] =	vst v63  }
0x14: {  	_ =	swait.ge [sflag:s14], $0x200  }
0x15: {  	[sflag:s14] =	ssyncset.done $0x0  }
0x16: {  	[sflag:s14] =	ssyncadd.s32 $0xFFFFFE00  }
0x17: {  	[tilespmem:s15], [sflag:$0x6] =	stream.linear.gather [hbm4b:s7+s3], $0x200, $0x38;
	[tilespmem:$0x15600] =	vst v63  }
0x18: {  	_ =	swait.ge [sflag:s14], $0x200  }
0x19: {  	[sflag:s14] =	ssyncset.done $0x0  }
0x1a: {  	[sflag:s14] =	ssyncadd.s32 $0xFFFFFE00  }
0x1b: {  	[tilespmem:s16], [sflag:$0x6] =	stream.linear.gather [hbm4b:s8+s3], $0x200, $0x38;
	[tilespmem:$0x15600] =	vst v63  }
0x1c: {  	_ =	swait.ge [sflag:s14], $0x200  }
0x1d: {  	[sflag:s14] =	ssyncset.done $0x0  }
0x1e: {  	[sflag:s14] =	ssyncadd.s32 $0xFFFFFE00  }
0x1f: {  	[tilespmem:s18], [sflag:$0x1] =	stream.indirect.gather [hbm4b:s4+s17], $0x80, s3, s17, $0xb8;
	[tilespmem:$0x15600] =	vst v63  }
0x20: {  	s1 =	simm.s32 $0x600  }
0x21: {  	[tilespmem:s1], [sflag:$0x1] =	stream.indirect.gather [hbm4b:s5+s17], $0x10, s15, s17, $0xb8;
	[tilespmem:$0x15600] =	vst v63  }
0x22: {  	s22 =	simm.s32 $0x2600  }
0x23: {  	[tilespmem:s22], [sflag:$0x1] =	stream.indirect.gather [hbm4b:s2+s17], $0x18, s16, s17, $0xb8;
	[tilespmem:$0x15600] =	vst v63  }
0x24: {  	_ = 	snop  }
0x25: {  	[tilespmem:s21], [sflag:$0x2] =	stream.indirect.gather [hbm4b:s4+s17], $0x80, s17, s17, $0xb8;
	[tilespmem:$0x15600] =	vst v63  }
0x26: {  	s23 =	simm.s32 $0x280;
	s20 =	simm.s32 $0xE00  }
0x27: {  	[tilespmem:s20], [sflag:$0x2] =	stream.indirect.gather [hbm4b:s5+s17], $0x10, s23, s17, $0xb8;
	[tilespmem:$0x15600] =	vst v63  }
0x28: {  	s22 =	simm.s32 $0x480;
	s23 =	simm.s32 $0x3200  }
0x29: {  	[tilespmem:s23], [sflag:$0x2] =	stream.indirect.gather [hbm4b:s2+s17], $0x18, s22, s17, $0xb8;
	[tilespmem:$0x15600] =	vst v63  }
0x2a: {  	s20 =	simm.s32 $0x100  }
0x2b: {  	[tilespmem:s28], [sflag:$0x3] =	stream.indirect.gather [hbm4b:s4+s17], $0x80, s20, s17, $0xb8;
	[tilespmem:$0x15600] =	vst v63  }
0x2c: {  	s22 =	simm.s32 $0x300;
	s23 =	simm.s32 $0x1600  }
0x2d: {  	[tilespmem:s23], [sflag:$0x3] =	stream.indirect.gather [hbm4b:s5+s17], $0x10, s22, s17, $0xb8;
	[tilespmem:$0x15600] =	vst v63  }
0x2e: {  	s20 =	simm.s32 $0x500;
	s22 =	simm.s32 $0x3E00  }
0x2f: {  	[tilespmem:s22], [sflag:$0x3] =	stream.indirect.gather [hbm4b:s2+s17], $0x18, s20, s17, $0xb8;
	[tilespmem:$0x15600] =	vst v63  }
0x30: {  	s23 =	simm.s32 $0x180  }
0x31: {  	[tilespmem:s19], [sflag:$0x4] =	stream.indirect.gather [hbm4b:s4+s17], $0x80, s23, s17, $0xb8;
	[tilespmem:$0x15600] =	vst v63  }
0x32: {  	s20 =	simm.s32 $0x380;
	s22 =	simm.s32 $0x1E00  }
0x33: {  	[tilespmem:s22], [sflag:$0x4] =	stream.indirect.gather [hbm4b:s5+s17], $0x10, s20, s17, $0xb8;
	[tilespmem:$0x15600] =	vst v63  }
0x34: {  	s23 =	simm.s32 $0x580  }
0x35: {  	[tilespmem:s24], [sflag:$0x4] =	stream.indirect.gather [hbm4b:s2+s17], $0x18, s23, s17, $0xb8;
	[tilespmem:$0x15600] =	vst v63  }
0x36: {  	_ =	swait.ge [sflag:s25], $0x4000  }
0x37: {  	[sflag:s25] =	ssyncset.done $0x0  }
0x38: {  	[sflag:s25] =	ssyncadd.s32 $0xFFFFC000  }
0x39: {  	_ =	swait.ge [sflag:s25], $0x800  }
0x3a: {  	[sflag:s25] =	ssyncset.done $0x0  }
0x3b: {  	[sflag:s25] =	ssyncadd.s32 $0xFFFFF800  }
0x3c: {  	_ =	swait.ge [sflag:s25], $0xC00  }
0x3d: {  	[sflag:s25] =	ssyncset.done $0x0  }
0x3e: {  	s22 =	simm.s32 $0x640;
	[sflag:s25] =	ssyncadd.s32 $0xFFFFF400  }
0x3f: {  	v0 =	vld [tilespmem:s22+$0x30]  }
0x40: {  	v1 =	vld [tilespmem:s22+$0xFFFFFFD0]  }
0x41: {  	v2 =	vld [tilespmem:s22+$0xFFFFFFE0]  }
0x42: {  	v3 =	vld [tilespmem:s22+$0xFFFFFFF0]  }
0x43: {  	s1 =	simm.s32 $0x5820;
	v4 =	vld [tilespmem:s22+$0x0]  }
0x44: {  	v5 =	vld [tilespmem:s22+$0x10];
	[tilespmem:s1+$0x180] =	vst v0  }
0x45: {  	[tilespmem:s1+$0xFFFFFE80] =	vst v1;
	v1 =	vld [tilespmem:s22+$0x20]  }
0x46: {  	s20 =	simm.s32 $0x2660;
	[tilespmem:s1+$0xFFFFFF00] =	vst v2;
	v2 =	vld [tilespmem:s22+$0xFFFFFFC0]  }
0x47: {  	[tilespmem:s1+$0xFFFFFF80] =	vst v3;
	v0 =	vld [tilespmem:s20+$0x48]  }
0x48: {  	[tilespmem:s1+$0x0] =	vst v4;
	v3 =	vld [tilespmem:s20+$0xFFFFFFB8]  }
0x49: {  	[tilespmem:s1+$0x80] =	vst v5;
	v4 =	vld [tilespmem:s20+$0xFFFFFFD0]  }
0x4a: {  	v5 =	vld [tilespmem:s20+$0xFFFFFFE8];
	[tilespmem:s1+$0x100] =	vst v1  }
0x4b: {  	[tilespmem:s1+$0xFFFFFE00] =	vst v2;
	v1 =	vld [tilespmem:s20+$0x0]  }
0x4c: {  	[tilespmem:s1+$0x190] =	vst v0;
	v2 =	vld [tilespmem:s20+$0xFFFFFFA0]  }
0x4d: {  	[tilespmem:s1+$0xFFFFFE90] =	vst v3;
	v3 =	vld [tilespmem:s20+$0x18]  }
0x4e: {  	[tilespmem:s1+$0xFFFFFF10] =	vst v4;
	v0 =	vld [tilespmem:s20+$0x50]  }
0x4f: {  	[tilespmem:s1+$0xFFFFFF90] =	vst v5;
	v4 =	vld [tilespmem:s20+$0x30]  }
0x50: {  	v5 =	vld [tilespmem:s20+$0xFFFFFFC0];
	[tilespmem:s1+$0x10] =	vst v1  }
0x51: {  	v6 =	vld [tilespmem:s20+$0xFFFFFFD8];
	[tilespmem:s1+$0xFFFFFE10] =	vst v2  }
0x52: {  	v2 =	vld [tilespmem:s20+$0xFFFFFFF0];
	[tilespmem:s1+$0x90] =	vst v3  }
0x53: {  	[tilespmem:s1+$0x198] =	vst v0;
	v0 =	vld [tilespmem:s20+$0xFFFFFFA8]  }
0x54: {  	v1 =	vld [tilespmem:s20+$0x8];
	[tilespmem:s1+$0x110] =	vst v4  }
0x55: {  	[tilespmem:s1+$0xFFFFFE98] =	vst v5;
	v3 =	vld [tilespmem:s20+$0x20]  }
0x56: {  	s23 =	simm.s32 $0x6C0;
	s22 =	simm.s32 $0x0;
	[tilespmem:s1+$0xFFFFFF18] =	vst v6;
	v4 =	vld [tilespmem:s20+$0x38]  }
.LBB2_2:
0x57: {  	v5 =	vld [tilespmem:s23+$0x30];
	s22 =	sadd.s32 $0x8, s22;
	[tilespmem:s1+$0xFFFFFF98] =	vst v2  }
0x58: {  	v2 =	vld [tilespmem:s23+$0xFFFFFFD0];
	p0 =	slt.u32 s22, $0x78;
	[tilespmem:s1+$0xFFFFFE18] =	vst v0  }
0x59: {  	v0 =	vld [tilespmem:s23+$0xFFFFFFE0];
	[tilespmem:s1+$0x18] =	vst v1  }
0x5a: {  	v1 =	vld [tilespmem:s23+$0xFFFFFFF0];
	[tilespmem:s1+$0x98] =	vst v3  }
0x5b: {  	v3 =	vld [tilespmem:s23+$0x0];
	[tilespmem:s1+$0x118] =	vst v4;
	s1 =	sadd.s32 $0x400, s1  }
0x5c: {  	s20 =	sadd.s32 $0xC0, s20;
	v4 =	vld [tilespmem:s23+$0x10];
	[tilespmem:s1+$0x180] =	vst v5  }
0x5d: {  	[tilespmem:s1+$0xFFFFFE80] =	vst v2;
	v2 =	vld [tilespmem:s20+$0x48]  }
0x5e: {  	[tilespmem:s1+$0xFFFFFF00] =	vst v0;
	v0 =	vld [tilespmem:s23+$0x20]  }
0x5f: {  	v5 =	vld [tilespmem:s23+$0xFFFFFFC0];
	[tilespmem:s1+$0xFFFFFF80] =	vst v1  }
0x60: {  	v1 =	vld [tilespmem:s20+$0xFFFFFFB8];
	[tilespmem:s1+$0x0] =	vst v3  }
0x61: {  	v3 =	vld [tilespmem:s20+$0xFFFFFFD0];
	[tilespmem:s1+$0x80] =	vst v4  }
0x62: {  	v4 =	vld [tilespmem:s20+$0xFFFFFFE8];
	[tilespmem:s1+$0x190] =	vst v2  }
0x63: {  	[tilespmem:s1+$0x100] =	vst v0;
	v0 =	vld [tilespmem:s20+$0x50]  }
0x64: {  	[tilespmem:s1+$0xFFFFFE00] =	vst v5;
	v2 =	vld [tilespmem:s20+$0x0]  }
0x65: {  	v5 =	vld [tilespmem:s20+$0xFFFFFFA0];
	[tilespmem:s1+$0xFFFFFE90] =	vst v1  }
0x66: {  	[tilespmem:s1+$0xFFFFFF10] =	vst v3;
	v1 =	vld [tilespmem:s20+$0x18]  }
0x67: {  	[tilespmem:s1+$0xFFFFFF90] =	vst v4;
	v3 =	vld [tilespmem:s20+$0x30]  }
0x68: {  	v4 =	vld [tilespmem:s20+$0xFFFFFFC0];
	[tilespmem:s1+$0x198] =	vst v0  }
0x69: {  	v6 =	vld [tilespmem:s20+$0xFFFFFFD8];
	[tilespmem:s1+$0x10] =	vst v2  }
.Ltmp0:
0x6a: {  	[tilespmem:s1+$0xFFFFFE10] =	vst v5;
	v2 =	vld [tilespmem:s20+$0xFFFFFFF0];
	(pc) =	sbr.rel @p0 .LBB2_2-.Ltmp0, $4  }
0x6b: {  	v0 =	vld [tilespmem:s20+$0xFFFFFFA8];
	[tilespmem:s1+$0x90] =	vst v1  }
0x6c: {  	v1 =	vld [tilespmem:s20+$0x8];
	[tilespmem:s1+$0x110] =	vst v3  }
0x6d: {  	[tilespmem:s1+$0xFFFFFE98] =	vst v4;
	v3 =	vld [tilespmem:s20+$0x20]  }
0x6e: {  	s23 =	sadd.s32 $0x80, s23;
	[tilespmem:s1+$0xFFFFFF18] =	vst v6;
	v4 =	vld [tilespmem:s20+$0x38]  }
0x6f: {  	[tilespmem:s1+$0xFFFFFF98] =	vst v2  }
0x70: {  	[tilespmem:s1+$0xFFFFFE18] =	vst v0  }
0x71: {  	[tilespmem:s1+$0x18] =	vst v1  }
0x72: {  	[tilespmem:s1+$0x98] =	vst v3  }
0x73: {  	[tilespmem:s1+$0x118] =	vst v4  }
0x74: {  	[hbm4b:s9+s3] =	stream.linear.scatter [tilespmem:s18], [sflag:$0x5], $0x4000, $0x38;
	[tilespmem:$0x15600] =	vst v63  }
0x75: {  	_ =	swait.ge [sflag:s26], $0x4000  }
0x76: {  	[sflag:s26] =	ssyncset.done $0x0  }
0x77: {  	[sflag:s26] =	ssyncadd.s32 $0xFFFFC000  }
0x78: {  	_ =	swait.ge [sflag:s26], $0x800  }
0x79: {  	[sflag:s26] =	ssyncset.done $0x0  }
0x7a: {  	[sflag:s26] =	ssyncadd.s32 $0xFFFFF800  }
0x7b: {  	_ =	swait.ge [sflag:s26], $0xC00  }
0x7c: {  	[sflag:s26] =	ssyncset.done $0x0  }
0x7d: {  	s22 =	simm.s32 $0xE70;
	[sflag:s26] =	ssyncadd.s32 $0xFFFFF400  }
0x7e: {  	v0 =	vld [tilespmem:s22+$0x0]  }
0x7f: {  	v1 =	vld [tilespmem:s22+$0xFFFFFFA0]  }
0x80: {  	v2 =	vld [tilespmem:s22+$0xFFFFFFB0]  }
0x81: {  	v3 =	vld [tilespmem:s22+$0xFFFFFFC0]  }
0x82: {  	s1 =	simm.s32 $0x99B8;
	v4 =	vld [tilespmem:s22+$0xFFFFFFD0]  }
0x83: {  	v5 =	vld [tilespmem:s22+$0xFFFFFFE0];
	[tilespmem:s1+$0xFFFFFFE8] =	vst v0  }
0x84: {  	[tilespmem:s1+$0xFFFFFCE8] =	vst v1;
	v1 =	vld [tilespmem:s22+$0xFFFFFFF0]  }
0x85: {  	s20 =	simm.s32 $0x32B0;
	[tilespmem:s1+$0xFFFFFD68] =	vst v2;
	v2 =	vld [tilespmem:s22+$0xFFFFFF90]  }
0x86: {  	[tilespmem:s1+$0xFFFFFDE8] =	vst v3;
	v0 =	vld [tilespmem:s20+$0xFFFFFFF8]  }
0x87: {  	[tilespmem:s1+$0xFFFFFE68] =	vst v4;
	v3 =	vld [tilespmem:s20+$0xFFFFFF68]  }
0x88: {  	[tilespmem:s1+$0xFFFFFEE8] =	vst v5;
	v4 =	vld [tilespmem:s20+$0xFFFFFF80]  }
0x89: {  	v5 =	vld [tilespmem:s20+$0xFFFFFF98];
	[tilespmem:s1+$0xFFFFFF68] =	vst v1  }
0x8a: {  	[tilespmem:s1+$0xFFFFFC68] =	vst v2;
	v1 =	vld [tilespmem:s20+$0xFFFFFFB0]  }
0x8b: {  	[tilespmem:s1+$0xFFFFFFF8] =	vst v0;
	v2 =	vld [tilespmem:s20+$0xFFFFFF50]  }
0x8c: {  	[tilespmem:s1+$0xFFFFFCF8] =	vst v3;
	v3 =	vld [tilespmem:s20+$0xFFFFFFC8]  }
0x8d: {  	[tilespmem:s1+$0xFFFFFD78] =	vst v4;
	v0 =	vld [tilespmem:s20+$0x0]  }
0x8e: {  	[tilespmem:s1+$0xFFFFFDF8] =	vst v5;
	v4 =	vld [tilespmem:s20+$0xFFFFFFE0]  }
0x8f: {  	v5 =	vld [tilespmem:s20+$0xFFFFFF70];
	[tilespmem:s1+$0xFFFFFE78] =	vst v1  }
0x90: {  	v6 =	vld [tilespmem:s20+$0xFFFFFF88];
	[tilespmem:s1+$0xFFFFFC78] =	vst v2  }
0x91: {  	v2 =	vld [tilespmem:s20+$0xFFFFFFA0];
	[tilespmem:s1+$0xFFFFFEF8] =	vst v3  }
0x92: {  	[tilespmem:s1+$0x0] =	vst v0;
	v0 =	vld [tilespmem:s20+$0xFFFFFF58]  }
0x93: {  	v1 =	vld [tilespmem:s20+$0xFFFFFFB8];
	[tilespmem:s1+$0xFFFFFF78] =	vst v4  }
0x94: {  	[tilespmem:s1+$0xFFFFFD00] =	vst v5;
	v3 =	vld [tilespmem:s20+$0xFFFFFFD0]  }
0x95: {  	s23 =	simm.s32 $0xEF0;
	s22 =	simm.s32 $0x80;
	[tilespmem:s1+$0xFFFFFD80] =	vst v6;
	v4 =	vld [tilespmem:s20+$0xFFFFFFE8]  }
.LBB2_4:
0x96: {  	v5 =	vld [tilespmem:s23+$0x0];
	s22 =	sadd.s32 $0x8, s22;
	[tilespmem:s1+$0xFFFFFE00] =	vst v2  }
0x97: {  	v2 =	vld [tilespmem:s23+$0xFFFFFFA0];
	p0 =	slt.u32 s22, $0xF8;
	[tilespmem:s1+$0xFFFFFC80] =	vst v0  }
0x98: {  	v0 =	vld [tilespmem:s23+$0xFFFFFFB0];
	[tilespmem:s1+$0xFFFFFE80] =	vst v1  }
0x99: {  	v1 =	vld [tilespmem:s23+$0xFFFFFFC0];
	[tilespmem:s1+$0xFFFFFF00] =	vst v3  }
0x9a: {  	v3 =	vld [tilespmem:s23+$0xFFFFFFD0];
	[tilespmem:s1+$0xFFFFFF80] =	vst v4;
	s1 =	sadd.s32 $0x400, s1  }
0x9b: {  	s20 =	sadd.s32 $0xC0, s20;
	v4 =	vld [tilespmem:s23+$0xFFFFFFE0];
	[tilespmem:s1+$0xFFFFFFE8] =	vst v5  }
0x9c: {  	[tilespmem:s1+$0xFFFFFCE8] =	vst v2;
	v2 =	vld [tilespmem:s20+$0xFFFFFFF8]  }
0x9d: {  	[tilespmem:s1+$0xFFFFFD68] =	vst v0;
	v0 =	vld [tilespmem:s23+$0xFFFFFFF0]  }
0x9e: {  	v5 =	vld [tilespmem:s23+$0xFFFFFF90];
	[tilespmem:s1+$0xFFFFFDE8] =	vst v1  }
0x9f: {  	v1 =	vld [tilespmem:s20+$0xFFFFFF68];
	[tilespmem:s1+$0xFFFFFE68] =	vst v3  }
0xa0: {  	v3 =	vld [tilespmem:s20+$0xFFFFFF80];
	[tilespmem:s1+$0xFFFFFEE8] =	vst v4  }
0xa1: {  	v4 =	vld [tilespmem:s20+$0xFFFFFF98];
	[tilespmem:s1+$0xFFFFFFF8] =	vst v2  }
0xa2: {  	[tilespmem:s1+$0xFFFFFF68] =	vst v0;
	v0 =	vld [tilespmem:s20+$0x0]  }
0xa3: {  	[tilespmem:s1+$0xFFFFFC68] =	vst v5;
	v2 =	vld [tilespmem:s20+$0xFFFFFFB0]  }
0xa4: {  	v5 =	vld [tilespmem:s20+$0xFFFFFF50];
	[tilespmem:s1+$0xFFFFFCF8] =	vst v1  }
0xa5: {  	[tilespmem:s1+$0xFFFFFD78] =	vst v3;
	v1 =	vld [tilespmem:s20+$0xFFFFFFC8]  }
0xa6: {  	[tilespmem:s1+$0xFFFFFDF8] =	vst v4;
	v3 =	vld [tilespmem:s20+$0xFFFFFFE0]  }
0xa7: {  	v4 =	vld [tilespmem:s20+$0xFFFFFF70];
	[tilespmem:s1+$0x0] =	vst v0  }
0xa8: {  	v6 =	vld [tilespmem:s20+$0xFFFFFF88];
	[tilespmem:s1+$0xFFFFFE78] =	vst v2  }
.Ltmp1:
0xa9: {  	[tilespmem:s1+$0xFFFFFC78] =	vst v5;
	v2 =	vld [tilespmem:s20+$0xFFFFFFA0];
	(pc) =	sbr.rel @p0 .LBB2_4-.Ltmp1, $4  }
0xaa: {  	v0 =	vld [tilespmem:s20+$0xFFFFFF58];
	[tilespmem:s1+$0xFFFFFEF8] =	vst v1  }
0xab: {  	v1 =	vld [tilespmem:s20+$0xFFFFFFB8];
	[tilespmem:s1+$0xFFFFFF78] =	vst v3  }
0xac: {  	[tilespmem:s1+$0xFFFFFD00] =	vst v4;
	v3 =	vld [tilespmem:s20+$0xFFFFFFD0]  }
0xad: {  	s23 =	sadd.s32 $0x80, s23;
	[tilespmem:s1+$0xFFFFFD80] =	vst v6;
	v4 =	vld [tilespmem:s20+$0xFFFFFFE8]  }
0xae: {  	[tilespmem:s1+$0xFFFFFE00] =	vst v2  }
0xaf: {  	[tilespmem:s1+$0xFFFFFC80] =	vst v0  }
0xb0: {  	[tilespmem:s1+$0xFFFFFE80] =	vst v1  }
0xb1: {  	[tilespmem:s1+$0xFFFFFF00] =	vst v3  }
0xb2: {  	[tilespmem:s1+$0xFFFFFF80] =	vst v4  }
0xb3: {  	[hbm4b:s10+s3] =	stream.linear.scatter [tilespmem:s21], [sflag:$0x5], $0x4000, $0x38;
	[tilespmem:$0x15600] =	vst v63  }
0xb4: {  	_ =	swait.ge [sflag:s29], $0x4000  }
0xb5: {  	[sflag:s29] =	ssyncset.done $0x0  }
0xb6: {  	[sflag:s29] =	ssyncadd.s32 $0xFFFFC000  }
0xb7: {  	_ =	swait.ge [sflag:s29], $0x800  }
0xb8: {  	[sflag:s29] =	ssyncset.done $0x0  }
0xb9: {  	[sflag:s29] =	ssyncadd.s32 $0xFFFFF800  }
0xba: {  	_ =	swait.ge [sflag:s29], $0xC00  }
0xbb: {  	[sflag:s29] =	ssyncset.done $0x0  }
0xbc: {  	s22 =	simm.s32 $0x1670;
	[sflag:s29] =	ssyncadd.s32 $0xFFFFF400  }
0xbd: {  	v0 =	vld [tilespmem:s22+$0x0]  }
0xbe: {  	v1 =	vld [tilespmem:s22+$0xFFFFFFA0]  }
0xbf: {  	v2 =	vld [tilespmem:s22+$0xFFFFFFB0]  }
0xc0: {  	v3 =	vld [tilespmem:s22+$0xFFFFFFC0]  }
0xc1: {  	s1 =	simm.s32 $0xD9B8;
	v4 =	vld [tilespmem:s22+$0xFFFFFFD0]  }
0xc2: {  	v5 =	vld [tilespmem:s22+$0xFFFFFFE0];
	[tilespmem:s1+$0xFFFFFFE8] =	vst v0  }
0xc3: {  	[tilespmem:s1+$0xFFFFFCE8] =	vst v1;
	v1 =	vld [tilespmem:s22+$0xFFFFFFF0]  }
0xc4: {  	s20 =	simm.s32 $0x3EB0;
	[tilespmem:s1+$0xFFFFFD68] =	vst v2;
	v2 =	vld [tilespmem:s22+$0xFFFFFF90]  }
0xc5: {  	[tilespmem:s1+$0xFFFFFDE8] =	vst v3;
	v0 =	vld [tilespmem:s20+$0xFFFFFFF8]  }
0xc6: {  	[tilespmem:s1+$0xFFFFFE68] =	vst v4;
	v3 =	vld [tilespmem:s20+$0xFFFFFF68]  }
0xc7: {  	[tilespmem:s1+$0xFFFFFEE8] =	vst v5;
	v4 =	vld [tilespmem:s20+$0xFFFFFF80]  }
0xc8: {  	v5 =	vld [tilespmem:s20+$0xFFFFFF98];
	[tilespmem:s1+$0xFFFFFF68] =	vst v1  }
0xc9: {  	[tilespmem:s1+$0xFFFFFC68] =	vst v2;
	v1 =	vld [tilespmem:s20+$0xFFFFFFB0]  }
0xca: {  	[tilespmem:s1+$0xFFFFFFF8] =	vst v0;
	v2 =	vld [tilespmem:s20+$0xFFFFFF50]  }
0xcb: {  	[tilespmem:s1+$0xFFFFFCF8] =	vst v3;
	v3 =	vld [tilespmem:s20+$0xFFFFFFC8]  }
0xcc: {  	[tilespmem:s1+$0xFFFFFD78] =	vst v4;
	v0 =	vld [tilespmem:s20+$0x0]  }
0xcd: {  	[tilespmem:s1+$0xFFFFFDF8] =	vst v5;
	v4 =	vld [tilespmem:s20+$0xFFFFFFE0]  }
0xce: {  	v5 =	vld [tilespmem:s20+$0xFFFFFF70];
	[tilespmem:s1+$0xFFFFFE78] =	vst v1  }
0xcf: {  	v6 =	vld [tilespmem:s20+$0xFFFFFF88];
	[tilespmem:s1+$0xFFFFFC78] =	vst v2  }
0xd0: {  	v2 =	vld [tilespmem:s20+$0xFFFFFFA0];
	[tilespmem:s1+$0xFFFFFEF8] =	vst v3  }
0xd1: {  	[tilespmem:s1+$0x0] =	vst v0;
	v0 =	vld [tilespmem:s20+$0xFFFFFF58]  }
0xd2: {  	v1 =	vld [tilespmem:s20+$0xFFFFFFB8];
	[tilespmem:s1+$0xFFFFFF78] =	vst v4  }
0xd3: {  	[tilespmem:s1+$0xFFFFFD00] =	vst v5;
	v3 =	vld [tilespmem:s20+$0xFFFFFFD0]  }
0xd4: {  	s23 =	simm.s32 $0x16F0;
	s22 =	simm.s32 $0x100;
	[tilespmem:s1+$0xFFFFFD80] =	vst v6;
	v4 =	vld [tilespmem:s20+$0xFFFFFFE8]  }
.LBB2_6:
0xd5: {  	v5 =	vld [tilespmem:s23+$0x0];
	s22 =	sadd.s32 $0x8, s22;
	[tilespmem:s1+$0xFFFFFE00] =	vst v2  }
0xd6: {  	v2 =	vld [tilespmem:s23+$0xFFFFFFA0];
	p0 =	slt.u32 s22, $0x178;
	[tilespmem:s1+$0xFFFFFC80] =	vst v0  }
0xd7: {  	v0 =	vld [tilespmem:s23+$0xFFFFFFB0];
	[tilespmem:s1+$0xFFFFFE80] =	vst v1  }
0xd8: {  	v1 =	vld [tilespmem:s23+$0xFFFFFFC0];
	[tilespmem:s1+$0xFFFFFF00] =	vst v3  }
0xd9: {  	v3 =	vld [tilespmem:s23+$0xFFFFFFD0];
	[tilespmem:s1+$0xFFFFFF80] =	vst v4;
	s1 =	sadd.s32 $0x400, s1  }
0xda: {  	s20 =	sadd.s32 $0xC0, s20;
	v4 =	vld [tilespmem:s23+$0xFFFFFFE0];
	[tilespmem:s1+$0xFFFFFFE8] =	vst v5  }
0xdb: {  	[tilespmem:s1+$0xFFFFFCE8] =	vst v2;
	v2 =	vld [tilespmem:s20+$0xFFFFFFF8]  }
0xdc: {  	[tilespmem:s1+$0xFFFFFD68] =	vst v0;
	v0 =	vld [tilespmem:s23+$0xFFFFFFF0]  }
0xdd: {  	v5 =	vld [tilespmem:s23+$0xFFFFFF90];
	[tilespmem:s1+$0xFFFFFDE8] =	vst v1  }
0xde: {  	v1 =	vld [tilespmem:s20+$0xFFFFFF68];
	[tilespmem:s1+$0xFFFFFE68] =	vst v3  }
0xdf: {  	v3 =	vld [tilespmem:s20+$0xFFFFFF80];
	[tilespmem:s1+$0xFFFFFEE8] =	vst v4  }
0xe0: {  	v4 =	vld [tilespmem:s20+$0xFFFFFF98];
	[tilespmem:s1+$0xFFFFFFF8] =	vst v2  }
0xe1: {  	[tilespmem:s1+$0xFFFFFF68] =	vst v0;
	v0 =	vld [tilespmem:s20+$0x0]  }
0xe2: {  	[tilespmem:s1+$0xFFFFFC68] =	vst v5;
	v2 =	vld [tilespmem:s20+$0xFFFFFFB0]  }
0xe3: {  	v5 =	vld [tilespmem:s20+$0xFFFFFF50];
	[tilespmem:s1+$0xFFFFFCF8] =	vst v1  }
0xe4: {  	[tilespmem:s1+$0xFFFFFD78] =	vst v3;
	v1 =	vld [tilespmem:s20+$0xFFFFFFC8]  }
0xe5: {  	[tilespmem:s1+$0xFFFFFDF8] =	vst v4;
	v3 =	vld [tilespmem:s20+$0xFFFFFFE0]  }
0xe6: {  	v4 =	vld [tilespmem:s20+$0xFFFFFF70];
	[tilespmem:s1+$0x0] =	vst v0  }
0xe7: {  	v6 =	vld [tilespmem:s20+$0xFFFFFF88];
	[tilespmem:s1+$0xFFFFFE78] =	vst v2  }
.Ltmp2:
0xe8: {  	[tilespmem:s1+$0xFFFFFC78] =	vst v5;
	v2 =	vld [tilespmem:s20+$0xFFFFFFA0];
	(pc) =	sbr.rel @p0 .LBB2_6-.Ltmp2, $4  }
0xe9: {  	v0 =	vld [tilespmem:s20+$0xFFFFFF58];
	[tilespmem:s1+$0xFFFFFEF8] =	vst v1  }
0xea: {  	v1 =	vld [tilespmem:s20+$0xFFFFFFB8];
	[tilespmem:s1+$0xFFFFFF78] =	vst v3  }
0xeb: {  	[tilespmem:s1+$0xFFFFFD00] =	vst v4;
	v3 =	vld [tilespmem:s20+$0xFFFFFFD0]  }
0xec: {  	s23 =	sadd.s32 $0x80, s23;
	[tilespmem:s1+$0xFFFFFD80] =	vst v6;
	v4 =	vld [tilespmem:s20+$0xFFFFFFE8]  }
0xed: {  	[tilespmem:s1+$0xFFFFFE00] =	vst v2  }
0xee: {  	[tilespmem:s1+$0xFFFFFC80] =	vst v0  }
0xef: {  	[tilespmem:s1+$0xFFFFFE80] =	vst v1  }
0xf0: {  	[tilespmem:s1+$0xFFFFFF00] =	vst v3  }
0xf1: {  	[tilespmem:s1+$0xFFFFFF80] =	vst v4  }
0xf2: {  	[hbm4b:s11+s3] =	stream.linear.scatter [tilespmem:s28], [sflag:$0x5], $0x4000, $0x38;
	[tilespmem:$0x15600] =	vst v63  }
0xf3: {  	_ =	swait.ge [sflag:s30], $0x4000  }
0xf4: {  	[sflag:s30] =	ssyncset.done $0x0  }
0xf5: {  	[sflag:s30] =	ssyncadd.s32 $0xFFFFC000  }
0xf6: {  	_ =	swait.ge [sflag:s30], $0x800  }
0xf7: {  	[sflag:s30] =	ssyncset.done $0x0  }
0xf8: {  	[sflag:s30] =	ssyncadd.s32 $0xFFFFF800  }
0xf9: {  	_ =	swait.ge [sflag:s30], $0xC00  }
0xfa: {  	[sflag:s30] =	ssyncset.done $0x0  }
0xfb: {  	s22 =	simm.s32 $0x1E70;
	[sflag:s30] =	ssyncadd.s32 $0xFFFFF400  }
0xfc: {  	v0 =	vld [tilespmem:s22+$0x0]  }
0xfd: {  	v1 =	vld [tilespmem:s22+$0xFFFFFFA0]  }
0xfe: {  	v2 =	vld [tilespmem:s22+$0xFFFFFFB0]  }
0xff: {  	v3 =	vld [tilespmem:s22+$0xFFFFFFC0]  }
0x100: {  	s1 =	simm.s32 $0x119B8;
	v4 =	vld [tilespmem:s22+$0xFFFFFFD0]  }
0x101: {  	v5 =	vld [tilespmem:s22+$0xFFFFFFE0];
	[tilespmem:s1+$0xFFFFFFE8] =	vst v0  }
0x102: {  	[tilespmem:s1+$0xFFFFFCE8] =	vst v1;
	v1 =	vld [tilespmem:s22+$0xFFFFFFF0]  }
0x103: {  	s20 =	simm.s32 $0x4AB0;
	[tilespmem:s1+$0xFFFFFD68] =	vst v2;
	v2 =	vld [tilespmem:s22+$0xFFFFFF90]  }
0x104: {  	[tilespmem:s1+$0xFFFFFDE8] =	vst v3;
	v0 =	vld [tilespmem:s20+$0xFFFFFFF8]  }
0x105: {  	[tilespmem:s1+$0xFFFFFE68] =	vst v4;
	v3 =	vld [tilespmem:s20+$0xFFFFFF68]  }
0x106: {  	[tilespmem:s1+$0xFFFFFEE8] =	vst v5;
	v4 =	vld [tilespmem:s20+$0xFFFFFF80]  }
0x107: {  	v5 =	vld [tilespmem:s20+$0xFFFFFF98];
	[tilespmem:s1+$0xFFFFFF68] =	vst v1  }
0x108: {  	[tilespmem:s1+$0xFFFFFC68] =	vst v2;
	v1 =	vld [tilespmem:s20+$0xFFFFFFB0]  }
0x109: {  	[tilespmem:s1+$0xFFFFFFF8] =	vst v0;
	v2 =	vld [tilespmem:s20+$0xFFFFFF50]  }
0x10a: {  	[tilespmem:s1+$0xFFFFFCF8] =	vst v3;
	v3 =	vld [tilespmem:s20+$0xFFFFFFC8]  }
0x10b: {  	[tilespmem:s1+$0xFFFFFD78] =	vst v4;
	v0 =	vld [tilespmem:s20+$0x0]  }
0x10c: {  	[tilespmem:s1+$0xFFFFFDF8] =	vst v5;
	v4 =	vld [tilespmem:s20+$0xFFFFFFE0]  }
0x10d: {  	v5 =	vld [tilespmem:s20+$0xFFFFFF70];
	[tilespmem:s1+$0xFFFFFE78] =	vst v1  }
0x10e: {  	v6 =	vld [tilespmem:s20+$0xFFFFFF88];
	[tilespmem:s1+$0xFFFFFC78] =	vst v2  }
0x10f: {  	v2 =	vld [tilespmem:s20+$0xFFFFFFA0];
	[tilespmem:s1+$0xFFFFFEF8] =	vst v3  }
0x110: {  	[tilespmem:s1+$0x0] =	vst v0;
	v0 =	vld [tilespmem:s20+$0xFFFFFF58]  }
0x111: {  	v1 =	vld [tilespmem:s20+$0xFFFFFFB8];
	[tilespmem:s1+$0xFFFFFF78] =	vst v4  }
0x112: {  	[tilespmem:s1+$0xFFFFFD00] =	vst v5;
	v3 =	vld [tilespmem:s20+$0xFFFFFFD0]  }
0x113: {  	s23 =	simm.s32 $0x1EF0;
	s22 =	simm.s32 $0x180;
	[tilespmem:s1+$0xFFFFFD80] =	vst v6;
	v4 =	vld [tilespmem:s20+$0xFFFFFFE8]  }
.LBB2_8:
0x114: {  	v5 =	vld [tilespmem:s23+$0x0];
	s22 =	sadd.s32 $0x8, s22;
	[tilespmem:s1+$0xFFFFFE00] =	vst v2  }
0x115: {  	v2 =	vld [tilespmem:s23+$0xFFFFFFA0];
	p0 =	slt.u32 s22, $0x1F8;
	[tilespmem:s1+$0xFFFFFC80] =	vst v0  }
0x116: {  	v0 =	vld [tilespmem:s23+$0xFFFFFFB0];
	[tilespmem:s1+$0xFFFFFE80] =	vst v1  }
0x117: {  	v1 =	vld [tilespmem:s23+$0xFFFFFFC0];
	[tilespmem:s1+$0xFFFFFF00] =	vst v3  }
0x118: {  	v3 =	vld [tilespmem:s23+$0xFFFFFFD0];
	[tilespmem:s1+$0xFFFFFF80] =	vst v4;
	s1 =	sadd.s32 $0x400, s1  }
0x119: {  	s20 =	sadd.s32 $0xC0, s20;
	v4 =	vld [tilespmem:s23+$0xFFFFFFE0];
	[tilespmem:s1+$0xFFFFFFE8] =	vst v5  }
0x11a: {  	[tilespmem:s1+$0xFFFFFCE8] =	vst v2;
	v2 =	vld [tilespmem:s20+$0xFFFFFFF8]  }
0x11b: {  	[tilespmem:s1+$0xFFFFFD68] =	vst v0;
	v0 =	vld [tilespmem:s23+$0xFFFFFFF0]  }
0x11c: {  	v5 =	vld [tilespmem:s23+$0xFFFFFF90];
	[tilespmem:s1+$0xFFFFFDE8] =	vst v1  }
0x11d: {  	v1 =	vld [tilespmem:s20+$0xFFFFFF68];
	[tilespmem:s1+$0xFFFFFE68] =	vst v3  }
0x11e: {  	v3 =	vld [tilespmem:s20+$0xFFFFFF80];
	[tilespmem:s1+$0xFFFFFEE8] =	vst v4  }
0x11f: {  	v4 =	vld [tilespmem:s20+$0xFFFFFF98];
	[tilespmem:s1+$0xFFFFFFF8] =	vst v2  }
0x120: {  	[tilespmem:s1+$0xFFFFFF68] =	vst v0;
	v0 =	vld [tilespmem:s20+$0x0]  }
0x121: {  	[tilespmem:s1+$0xFFFFFC68] =	vst v5;
	v2 =	vld [tilespmem:s20+$0xFFFFFFB0]  }
0x122: {  	v5 =	vld [tilespmem:s20+$0xFFFFFF50];
	[tilespmem:s1+$0xFFFFFCF8] =	vst v1  }
0x123: {  	[tilespmem:s1+$0xFFFFFD78] =	vst v3;
	v1 =	vld [tilespmem:s20+$0xFFFFFFC8]  }
0x124: {  	[tilespmem:s1+$0xFFFFFDF8] =	vst v4;
	v3 =	vld [tilespmem:s20+$0xFFFFFFE0]  }
0x125: {  	v4 =	vld [tilespmem:s20+$0xFFFFFF70];
	[tilespmem:s1+$0x0] =	vst v0  }
0x126: {  	v6 =	vld [tilespmem:s20+$0xFFFFFF88];
	[tilespmem:s1+$0xFFFFFE78] =	vst v2  }
.Ltmp3:
0x127: {  	[tilespmem:s1+$0xFFFFFC78] =	vst v5;
	v2 =	vld [tilespmem:s20+$0xFFFFFFA0];
	(pc) =	sbr.rel @p0 .LBB2_8-.Ltmp3, $4  }
0x128: {  	v0 =	vld [tilespmem:s20+$0xFFFFFF58];
	[tilespmem:s1+$0xFFFFFEF8] =	vst v1  }
0x129: {  	v1 =	vld [tilespmem:s20+$0xFFFFFFB8];
	[tilespmem:s1+$0xFFFFFF78] =	vst v3  }
0x12a: {  	[tilespmem:s1+$0xFFFFFD00] =	vst v4;
	v3 =	vld [tilespmem:s20+$0xFFFFFFD0]  }
0x12b: {  	s23 =	sadd.s32 $0x80, s23;
	[tilespmem:s1+$0xFFFFFD80] =	vst v6;
	v4 =	vld [tilespmem:s20+$0xFFFFFFE8]  }
0x12c: {  	[tilespmem:s1+$0xFFFFFE00] =	vst v2  }
0x12d: {  	[tilespmem:s1+$0xFFFFFC80] =	vst v0  }
0x12e: {  	[tilespmem:s1+$0xFFFFFE80] =	vst v1  }
0x12f: {  	[tilespmem:s1+$0xFFFFFF00] =	vst v3  }
0x130: {  	[tilespmem:s1+$0xFFFFFF80] =	vst v4  }
0x131: {  	[hbm4b:s12+s3] =	stream.linear.scatter [tilespmem:s19], [sflag:$0x5], $0x4000, $0x38;
	[tilespmem:$0x15600] =	vst v63  }
0x132: {  	_ =	swait.ge [sflag:s31], $0x4000  }
0x133: {  	[sflag:s31] =	ssyncset.done $0x0  }
0x134: {  	[sflag:s31] =	ssyncadd.s32 $0xFFFFC000  }
0x135: {  	_ =	swait.ge [sflag:s31], $0x4000  }
0x136: {  	[sflag:s31] =	ssyncset.done $0x0  }
0x137: {  	s0 =	sadd.s32 $0x1, s0;
	[sflag:s31] =	ssyncadd.s32 $0xFFFFC000  }
0x138: {  	p0 =	sne.s32 s0, s13;
	_ =	swait.ge [sflag:s31], $0x4000  }
.Ltmp4:
0x139: {  	[sflag:s31] =	ssyncset.done $0x0;
	(pc) =	sbr.rel @p0 .LBB2_1-.Ltmp4, $4  }
0x13a: {  	[sflag:s31] =	ssyncadd.s32 $0xFFFFC000  }
0x13b: {  	_ =	swait.ge [sflag:s31], $0x4000  }
0x13c: {  	[sflag:s31] =	ssyncset.done $0x0  }
0x13d: {  	[sflag:s31] =	ssyncadd.s32 $0xFFFFC000  }
0x13e: {  	_ =	sfence.sel $0x180000  }
0x13f: {  	[bflag:$0x0] =	sbarrier.arrive $0xFFFF  }
0x140: {  	_ =	strace $0x90000047  }
0x141: {  	s0 =	stileid.u32;
	[bflag:$0x2] =	sbarrier.arrive $0xFFFF  }
0x142: {  	p0 =	sne.s32 s0, $0x0;
	s0 =	rddreg [dreg:$0x5]  }
0x143: {  	s0 =	sadd.s32 @!p0 $0x100000, s0  }
0x144: {  	[sflag:s0] =	ssyncadd.tile.s32 @!p0 $0x1;
	_ =	shalt  }
.Lfunc_end2:
_tile_overlayer_lowered:
.L_overlay_start_2:
0x145: {  	(tag) =	ssettag $0x2  }
0x146: {  	s0 =	rddreg [dreg:$0x0];
	s2 =	stileid.u32  }
0x147: {  	s1 =	rddreg [dreg:$0x1];
	p0 =	sne.s32 s2, $0x0  }
0x148: {  	s3 =	rddreg [dreg:$0x2];
	[bflag:$0x3] =	sbarrier.arrive $0xFFFF;
	s2 =	simm.s32 @!p0 $0x1C06  }
0x149: {  	[timem:s3], [sflag:s2] =	dma.local @!p0 [hbm:s0], s1  }
0x14a: {  	s0 =	simm.s32 @!p0 $0x6  }
0x14b: {  	_ =	swait.ge @!p0 [sflag:s0], s1  }
0x14c: {  	s1 =	ssub.s32 @!p0 $0x0, s1;
	[sflag:s0] =	ssyncset.done @!p0 $0x0  }
0x14d: {  	[sflag:s0] =	ssyncadd.s32 @!p0 s1  }
0x14e: {  	[bflag:$0x3] =	sbarrier.arrive $0xFFFF  }
0x14f: {  	_ =	shalt  }

</sc_bundles>
